<compile_context>
chip_gen: v7x
topology: tpu7x:2x2x1
jax: 0.10.2.dev20260603
libtpu: 0.0.44.dev20260713+nightly
codegen_flags: <defaults>
</compile_context>

<pallas_src>
import functools

import jax
import jax.numpy as jnp
from jax import lax
from jax.experimental import pallas as pl
from jax.experimental.pallas import tpu as pltpu
from jax.experimental.pallas import tpu_sc as plsc

NUM_FIELDS = 26
VOCAB = 100000
D_TOKEN = 32
BATCH = 16384

NC, NS, L = 2, 16, 16
NW = NC * NS
CHUNK = 2048
NCH = BATCH // CHUNK
TOT_CH = NUM_FIELDS * NCH

_mesh = plsc.VectorSubcoreMesh(core_axis_name="c", subcore_axis_name="s")


@functools.partial(
    pl.kernel,
    out_type=jax.ShapeDtypeStruct((NUM_FIELDS, D_TOKEN, BATCH), jnp.float32),
    mesh=_mesh,
    scratch_types=[
        pltpu.VMEM((VOCAB,), jnp.float32),
        pltpu.VMEM((2, CHUNK), jnp.int32),
        pltpu.VMEM((2, CHUNK), jnp.float32),
        pltpu.SemaphoreType.DMA,
        pltpu.SemaphoreType.DMA,
        pltpu.SemaphoreType.DMA,
    ],
    compiler_params=pltpu.CompilerParams(
        use_tc_tiling_on_sc=True, needs_layout_passes=False
    ),
)
def _sc_colgather(xcat_t, tab_t, out, row_v, idx_v, res_v, s_row, s_idx, s_out):
    d = lax.axis_index("s") * NC + lax.axis_index("c")

    pltpu.async_copy(xcat_t.at[0, pl.ds(0, CHUNK)], idx_v.at[0], s_idx)
    pltpu.async_copy(tab_t.at[0, d], row_v, s_row)

    @pl.loop(0, NUM_FIELDS)
    def field_body(f):
        pltpu.make_async_copy(tab_t.at[0, d], row_v, s_row).wait()

        @pl.loop(0, NCH, step=2)
        def chunk_body(c0):
            for b in range(2):
                c = c0 + b
                gc = f * NCH + c

                pltpu.make_async_copy(
                    xcat_t.at[0, pl.ds(0, CHUNK)], idx_v.at[b], s_idx
                ).wait()

                ngc = gc + 1
                nf = ngc // NCH
                ncc = ngc % NCH

                @pl.when(ngc < TOT_CH)
                def _():
                    pltpu.async_copy(
                        xcat_t.at[nf, pl.ds(ncc * CHUNK, CHUNK)],
                        idx_v.at[1 - b],
                        s_idx,
                    )

                @pl.when(gc >= 2)
                def _():
                    pltpu.make_async_copy(
                        res_v.at[b], out.at[0, 0, pl.ds(0, CHUNK)], s_out
                    ).wait()

                @pl.loop(0, CHUNK // L, unroll=32)
                def gather_body(j):
                    res_v[b, pl.ds(j * L, L)] = plsc.load_gather(
                        row_v, [idx_v[b, pl.ds(j * L, L)]]
                    )

                @pl.when(jnp.logical_and(c == NCH - 1, f + 1 < NUM_FIELDS))
                def _():
                    pltpu.async_copy(tab_t.at[f + 1, d], row_v, s_row)

                pltpu.async_copy(
                    res_v.at[b], out.at[f, d, pl.ds(c * CHUNK, CHUNK)], s_out
                )

    for b in range(2):
        pltpu.make_async_copy(
            res_v.at[b], out.at[0, 0, pl.ds(0, CHUNK)], s_out
        ).wait()


def kernel(x_cat, tables):
    xt = jnp.transpose(x_cat.astype(jnp.int32))
    tt = jnp.transpose(tables, (0, 2, 1))
    o = _sc_colgather(xt, tt)
    return jnp.transpose(o, (2, 0, 1))

# --- scband reference (transcript-rebuilt; emitter-appended) ---
"""Pipeline reference for scband-cat-token-encoder-44074954391967 (READ-ONLY COPY).

The authoritative reference and input builder live on the scoring server;
editing this copy changes nothing except your own understanding.
"""

import jax, jax.numpy as jnp
import numpy as np

NUM_FIELDS = 26
VOCAB = 100000
D_TOKEN = 32
BATCH = 16384


def setup_inputs(seed: int = 0) -> dict:
    key = jax.random.key(seed)
    k_idx, k_tab = jax.random.split(key)
    x_cat = jax.random.randint(k_idx, (BATCH, NUM_FIELDS), 0, VOCAB, dtype=jnp.int64)
    # One embedding table per categorical field; all vocab sizes equal, so stack
    # into a single [F, V, D] parameter tensor (equivalent to nn.ModuleList of Embeddings).
    tables = jax.random.normal(k_tab, (NUM_FIELDS, VOCAB, D_TOKEN), dtype=jnp.float32) * 0.02
    return {"x_cat": x_cat, "tables": tables}


def reference(x_cat, tables):
    # tokens[i] = embeddings[i](x_cat[:, i]); stack over field dim -> [B, F, D]
    def one_field(table, idx):
        return jnp.take(table, idx, axis=0)
    out = jax.vmap(one_field, in_axes=(0, 1), out_axes=1)(tables, x_cat)
    return out

if __name__ == "__main__":
    import jax
    _d = setup_inputs()
    print(jax.jit(kernel)(*tuple(_d.values())))

</pallas_src>

<mosaic_0001>
#map = affine_map<(d0, d1) -> (0, 0)>
#map1 = affine_map<(d0, d1) -> (0, 0, 0)>
module attributes {stable_mosaic.version = 14 : i64} {
  func.func @_sc_colgather(%arg0: i32, %arg1: i32, %arg2: memref<26x16384xi32, #tpu.memory_space<hbm>>, %arg3: memref<26x32x100000xf32, #tpu.memory_space<hbm>>, %arg4: memref<26x32x16384xf32, #tpu.memory_space<hbm>>, %arg5: memref<100000xf32, #tpu.memory_space<vmem>>, %arg6: memref<2x2048xi32, #tpu.memory_space<vmem>>, %arg7: memref<2x2048xf32, #tpu.memory_space<vmem>>, %arg8: memref<!tpu.dma_semaphore, #tpu.memory_space<semaphore_mem>>, %arg9: memref<!tpu.dma_semaphore, #tpu.memory_space<semaphore_mem>>, %arg10: memref<!tpu.dma_semaphore, #tpu.memory_space<semaphore_mem>>) attributes {dimension_semantics = [#tpu.dimension_semantics<core_parallel>, #tpu.dimension_semantics<subcore_parallel>], iteration_bounds = array<i64: 2, 16>, scalar_prefetch = 0 : i64, scratch_operands = 6 : i64, tpu.core_type = #tpu.core_type<sc_vector_subcore>, window_params = [{transform_indices = #map}, {transform_indices = #map1}, {transform_indices = #map1}]} {
    %mul3A = arith.constant 2 : i32
    %mul3A_0 = arith.muli %arg1, %mul3A : i32
    %add3A = arith.addi %mul3A_0, %arg0 : i32
    %dma_start3A = arith.constant 0 : i32
    %dma_start3A_1 = arith.constant 0 : i32
    %dma_start3A_2 = arith.constant 0 : i32
    %dma_start3A_3 = tpu.memref_slice %arg6[%dma_start3A_1, %dma_start3A_2] : memref<2x2048xi32, #tpu.memory_space<vmem>> -> memref<1x2048xi32, #tpu.memory_space<vmem>>
    %dma_start3A_4 = tpu.memref_squeeze %dma_start3A_3 : memref<1x2048xi32, #tpu.memory_space<vmem>> -> memref<2048xi32, #tpu.memory_space<vmem>>
    %dma_start3A_5 = arith.constant 0 : i32
    %dma_start3A_6 = tpu.memref_slice %arg2[%dma_start3A, %dma_start3A_5] : memref<26x16384xi32, #tpu.memory_space<hbm>> -> memref<1x2048xi32, #tpu.memory_space<hbm>>
    %dma_start3A_7 = tpu.memref_squeeze %dma_start3A_6 : memref<1x2048xi32, #tpu.memory_space<hbm>> -> memref<2048xi32, #tpu.memory_space<hbm>>
    %dma_start3A_8 = arith.constant 0 : i32
    %dma_start3A_9 = tpu.memref_slice %arg6[%dma_start3A_1, %dma_start3A_8] : memref<2x2048xi32, #tpu.memory_space<vmem>> -> memref<1x2048xi32, #tpu.memory_space<vmem>>
    %dma_start3A_10 = tpu.memref_squeeze %dma_start3A_9 : memref<1x2048xi32, #tpu.memory_space<vmem>> -> memref<2048xi32, #tpu.memory_space<vmem>>
    %dma_start3A_11 = arith.constant 0 : i32
    %dma_start3A_12 = tpu.memref_slice %arg2[%dma_start3A, %dma_start3A_11] : memref<26x16384xi32, #tpu.memory_space<hbm>> -> memref<1x2048xi32, #tpu.memory_space<hbm>>
    %dma_start3A_13 = tpu.memref_squeeze %dma_start3A_12 : memref<1x2048xi32, #tpu.memory_space<hbm>> -> memref<2048xi32, #tpu.memory_space<hbm>>
    tpu.enqueue_dma source(%dma_start3A_13 : memref<2048xi32, #tpu.memory_space<hbm>>) target(%dma_start3A_10 : memref<2048xi32, #tpu.memory_space<vmem>>) target_semaphore(%arg9 : memref<!tpu.dma_semaphore, #tpu.memory_space<semaphore_mem>>)
    %dma_start3A_14 = arith.constant 0 : i32
    %dma_start3A_15 = arith.constant 0 : i32
    %dma_start3A_16 = tpu.memref_slice %arg3[%dma_start3A_14, %add3A, %dma_start3A_15] : memref<26x32x100000xf32, #tpu.memory_space<hbm>> -> memref<1x1x100000xf32, #tpu.memory_space<hbm>>
    %dma_start3A_17 = tpu.memref_squeeze %dma_start3A_16 : memref<1x1x100000xf32, #tpu.memory_space<hbm>> -> memref<100000xf32, #tpu.memory_space<hbm>>
    %dma_start3A_18 = arith.constant 0 : i32
    %dma_start3A_19 = tpu.memref_slice %arg3[%dma_start3A_14, %add3A, %dma_start3A_18] : memref<26x32x100000xf32, #tpu.memory_space<hbm>> -> memref<1x1x100000xf32, #tpu.memory_space<hbm>>
    %dma_start3A_20 = tpu.memref_squeeze %dma_start3A_19 : memref<1x1x100000xf32, #tpu.memory_space<hbm>> -> memref<100000xf32, #tpu.memory_space<hbm>>
    tpu.enqueue_dma source(%dma_start3A_20 : memref<100000xf32, #tpu.memory_space<hbm>>) target(%arg5 : memref<100000xf32, #tpu.memory_space<vmem>>) target_semaphore(%arg8 : memref<!tpu.dma_semaphore, #tpu.memory_space<semaphore_mem>>)
    %scan3A = arith.constant 0 : i32
    %scan3A_21 = arith.constant 26 : i32
    %scan3A_22 = arith.addi %scan3A, %scan3A_21 : i32
    %scan3A_23 = arith.constant 1 : i32
    scf.for %scan3A_54 = %scan3A to %scan3A_22 step %scan3A_23  : i32 {
      %mul3A_55 = arith.constant 1 : i32
      %mul3A_56 = arith.muli %scan3A_54, %mul3A_55 : i32
      %add3A_57 = arith.constant 0 : i32
      %add3A_58 = arith.addi %add3A_57, %mul3A_56 : i32
      %dma_wait3A_59 = arith.constant 0 : i32
      %dma_wait3A_60 = arith.constant 0 : i32
      %dma_wait3A_61 = tpu.memref_slice %arg3[%dma_wait3A_59, %add3A, %dma_wait3A_60] : memref<26x32x100000xf32, #tpu.memory_space<hbm>> -> memref<1x1x100000xf32, #tpu.memory_space<hbm>>
      %dma_wait3A_62 = tpu.memref_squeeze %dma_wait3A_61 : memref<1x1x100000xf32, #tpu.memory_space<hbm>> -> memref<100000xf32, #tpu.memory_space<hbm>>
      %dma_wait3A_63 = arith.constant 0 : i32
      %dma_wait3A_64 = tpu.memref_slice %arg3[%dma_wait3A_59, %add3A, %dma_wait3A_63] : memref<26x32x100000xf32, #tpu.memory_space<hbm>> -> memref<1x1x100000xf32, #tpu.memory_space<hbm>>
      %dma_wait3A_65 = tpu.memref_squeeze %dma_wait3A_64 : memref<1x1x100000xf32, #tpu.memory_space<hbm>> -> memref<100000xf32, #tpu.memory_space<hbm>>
      tpu.wait_dma2 semaphore(%arg8 : memref<!tpu.dma_semaphore, #tpu.memory_space<semaphore_mem>>) src(%dma_wait3A_65 : memref<100000xf32, #tpu.memory_space<hbm>>) dst(%arg5 : memref<100000xf32, #tpu.memory_space<vmem>>)
      %scan3A_66 = arith.constant 0 : i32
      %scan3A_67 = arith.constant 4 : i32
      %scan3A_68 = arith.addi %scan3A_66, %scan3A_67 : i32
      %scan3A_69 = arith.constant 1 : i32
      scf.for %scan3A_71 = %scan3A_66 to %scan3A_68 step %scan3A_69  : i32 {
        %mul3A_72 = arith.constant 2 : i32
        %mul3A_73 = arith.muli %scan3A_71, %mul3A_72 : i32
        %add3A_74 = arith.constant 0 : i32
        %add3A_75 = arith.addi %add3A_74, %mul3A_73 : i32
        %add3A_76 = arith.constant 0 : i32
        %add3A_77 = arith.addi %add3A_75, %add3A_76 : i32
        %mul3A_78 = arith.constant 8 : i32
        %mul3A_79 = arith.muli %add3A_58, %mul3A_78 : i32
        %add3A_80 = arith.addi %mul3A_79, %add3A_77 : i32
        %dma_wait3A_81 = arith.constant 0 : i32
        %dma_wait3A_82 = arith.constant 0 : i32
        %dma_wait3A_83 = arith.constant 0 : i32
        %dma_wait3A_84 = tpu.memref_slice %arg6[%dma_wait3A_82, %dma_wait3A_83] : memref<2x2048xi32, #tpu.memory_space<vmem>> -> memref<1x2048xi32, #tpu.memory_space<vmem>>
        %dma_wait3A_85 = tpu.memref_squeeze %dma_wait3A_84 : memref<1x2048xi32, #tpu.memory_space<vmem>> -> memref<2048xi32, #tpu.memory_space<vmem>>
        %dma_wait3A_86 = arith.constant 0 : i32
        %dma_wait3A_87 = tpu.memref_slice %arg2[%dma_wait3A_81, %dma_wait3A_86] : memref<26x16384xi32, #tpu.memory_space<hbm>> -> memref<1x2048xi32, #tpu.memory_space<hbm>>
        %dma_wait3A_88 = tpu.memref_squeeze %dma_wait3A_87 : memref<1x2048xi32, #tpu.memory_space<hbm>> -> memref<2048xi32, #tpu.memory_space<hbm>>
        %dma_wait3A_89 = arith.constant 0 : i32
        %dma_wait3A_90 = tpu.memref_slice %arg6[%dma_wait3A_82, %dma_wait3A_89] : memref<2x2048xi32, #tpu.memory_space<vmem>> -> memref<1x2048xi32, #tpu.memory_space<vmem>>
        %dma_wait3A_91 = tpu.memref_squeeze %dma_wait3A_90 : memref<1x2048xi32, #tpu.memory_space<vmem>> -> memref<2048xi32, #tpu.memory_space<vmem>>
        %dma_wait3A_92 = arith.constant 0 : i32
        %dma_wait3A_93 = tpu.memref_slice %arg2[%dma_wait3A_81, %dma_wait3A_92] : memref<26x16384xi32, #tpu.memory_space<hbm>> -> memref<1x2048xi32, #tpu.memory_space<hbm>>
        %dma_wait3A_94 = tpu.memref_squeeze %dma_wait3A_93 : memref<1x2048xi32, #tpu.memory_space<hbm>> -> memref<2048xi32, #tpu.memory_space<hbm>>
        tpu.wait_dma2 semaphore(%arg9 : memref<!tpu.dma_semaphore, #tpu.memory_space<semaphore_mem>>) src(%dma_wait3A_94 : memref<2048xi32, #tpu.memory_space<hbm>>) dst(%dma_wait3A_91 : memref<2048xi32, #tpu.memory_space<vmem>>)
        %add3A_95 = arith.constant 1 : i32
        %add3A_96 = arith.addi %add3A_80, %add3A_95 : i32
        %jit3A = arith.constant 8 : i32
        %div3A = arith.divsi %add3A_96, %jit3A : i32
        %sign3A = arith.constant 0 : i32
        %sign3A_97 = arith.cmpi sgt, %add3A_96, %sign3A : i32
        %sign3A_98 = arith.extui %sign3A_97 : i1 to i32
        %sign3A_99 = arith.constant 0 : i32
        %sign3A_100 = arith.cmpi slt, %add3A_96, %sign3A_99 : i32
        %sign3A_101 = arith.extui %sign3A_100 : i1 to i32
        %sign3A_102 = arith.subi %sign3A_98, %sign3A_101 : i32
        %sign3A_103 = arith.constant 0 : i32
        %sign3A_104 = arith.cmpi sgt, %jit3A, %sign3A_103 : i32
        %sign3A_105 = arith.extui %sign3A_104 : i1 to i32
        %sign3A_106 = arith.constant 0 : i32
        %sign3A_107 = arith.cmpi slt, %jit3A, %sign3A_106 : i32
        %sign3A_108 = arith.extui %sign3A_107 : i1 to i32
        %sign3A_109 = arith.subi %sign3A_105, %sign3A_108 : i32
        %ne3A = arith.cmpi ne, %sign3A_102, %sign3A_109 : i32
        %rem3A = arith.remsi %add3A_96, %jit3A : i32
        %ne3A_110 = arith.constant 0 : i32
        %ne3A_111 = arith.cmpi ne, %rem3A, %ne3A_110 : i32
        %and3A = arith.andi %ne3A, %ne3A_111 : i1
        %sub3A = arith.constant 1 : i32
        %sub3A_112 = arith.subi %div3A, %sub3A : i32
        %select_n3A = arith.select %and3A, %sub3A_112, %div3A : i32
        %jit3A_113 = arith.constant 8 : i32
        %eq3A = arith.constant 0 : i32
        %eq3A_114 = arith.cmpi eq, %jit3A_113, %eq3A : i32
        %jit3A_115 = arith.constant 1 : i32
        %select_n3A_116 = arith.select %eq3A_114, %jit3A_115, %jit3A_113 : i32
        %rem3A_117 = arith.remsi %add3A_96, %select_n3A_116 : i32
        %ne3A_118 = arith.constant 0 : i32
        %ne3A_119 = arith.cmpi ne, %rem3A_117, %ne3A_118 : i32
        %lt3A = arith.constant 0 : i32
        %lt3A_120 = arith.cmpi slt, %rem3A_117, %lt3A : i32
        %lt3A_121 = arith.constant 0 : i32
        %lt3A_122 = arith.cmpi slt, %select_n3A_116, %lt3A_121 : i32
        %ne3A_123 = arith.xori %lt3A_120, %lt3A_122 : i1
        %and3A_124 = arith.andi %ne3A_123, %ne3A_119 : i1
        %add3A_125 = arith.addi %rem3A_117, %select_n3A_116 : i32
        %select_n3A_126 = arith.select %and3A_124, %add3A_125, %rem3A_117 : i32
        %lt3A_127 = arith.constant 208 : i32
        %lt3A_128 = arith.cmpi slt, %add3A_96, %lt3A_127 : i32
        %convert_element_type3A = arith.extui %lt3A_128 : i1 to i32
        %cond3A = arith.constant 0 : i32
        %cond3A_129 = arith.cmpi ne, %convert_element_type3A, %cond3A : i32
        scf.if %cond3A_129 {
          %mul3A_261 = arith.constant 2048 : i32
          %mul3A_262 = arith.muli %select_n3A_126, %mul3A_261 : i32
          %dma_start3A_263 = arith.constant 1 : i32
          %dma_start3A_264 = arith.constant 0 : i32
          %dma_start3A_265 = tpu.memref_slice %arg6[%dma_start3A_263, %dma_start3A_264] : memref<2x2048xi32, #tpu.memory_space<vmem>> -> memref<1x2048xi32, #tpu.memory_space<vmem>>
          %dma_start3A_266 = tpu.memref_squeeze %dma_start3A_265 : memref<1x2048xi32, #tpu.memory_space<vmem>> -> memref<2048xi32, #tpu.memory_space<vmem>>
          %dma_start3A_267 = tpu.memref_slice %arg2[%select_n3A, %mul3A_262] : memref<26x16384xi32, #tpu.memory_space<hbm>> -> memref<1x2048xi32, #tpu.memory_space<hbm>>
          %dma_start3A_268 = tpu.memref_squeeze %dma_start3A_267 : memref<1x2048xi32, #tpu.memory_space<hbm>> -> memref<2048xi32, #tpu.memory_space<hbm>>
          %dma_start3A_269 = arith.constant 0 : i32
          %dma_start3A_270 = tpu.memref_slice %arg6[%dma_start3A_263, %dma_start3A_269] : memref<2x2048xi32, #tpu.memory_space<vmem>> -> memref<1x2048xi32, #tpu.memory_space<vmem>>
          %dma_start3A_271 = tpu.memref_squeeze %dma_start3A_270 : memref<1x2048xi32, #tpu.memory_space<vmem>> -> memref<2048xi32, #tpu.memory_space<vmem>>
          %dma_start3A_272 = tpu.memref_slice %arg2[%select_n3A, %mul3A_262] : memref<26x16384xi32, #tpu.memory_space<hbm>> -> memref<1x2048xi32, #tpu.memory_space<hbm>>
          %dma_start3A_273 = tpu.memref_squeeze %dma_start3A_272 : memref<1x2048xi32, #tpu.memory_space<hbm>> -> memref<2048xi32, #tpu.memory_space<hbm>>
          tpu.enqueue_dma source(%dma_start3A_273 : memref<2048xi32, #tpu.memory_space<hbm>>) target(%dma_start3A_271 : memref<2048xi32, #tpu.memory_space<vmem>>) target_semaphore(%arg9 : memref<!tpu.dma_semaphore, #tpu.memory_space<semaphore_mem>>)
        } else {
        }
        %ge3A = arith.constant 2 : i32
        %ge3A_130 = arith.cmpi sge, %add3A_80, %ge3A : i32
        %convert_element_type3A_131 = arith.extui %ge3A_130 : i1 to i32
        %cond3A_132 = arith.constant 0 : i32
        %cond3A_133 = arith.cmpi ne, %convert_element_type3A_131, %cond3A_132 : i32
        scf.if %cond3A_133 {
          %dma_wait3A_261 = arith.constant 0 : i32
          %dma_wait3A_262 = arith.constant 0 : i32
          %dma_wait3A_263 = arith.constant 0 : i32
          %dma_wait3A_264 = arith.constant 0 : i32
          %dma_wait3A_265 = tpu.memref_slice %arg7[%dma_wait3A_261, %dma_wait3A_264] : memref<2x2048xf32, #tpu.memory_space<vmem>> -> memref<1x2048xf32, #tpu.memory_space<vmem>>
          %dma_wait3A_266 = tpu.memref_squeeze %dma_wait3A_265 : memref<1x2048xf32, #tpu.memory_space<vmem>> -> memref<2048xf32, #tpu.memory_space<vmem>>
          %dma_wait3A_267 = arith.constant 0 : i32
          %dma_wait3A_268 = tpu.memref_slice %arg4[%dma_wait3A_262, %dma_wait3A_263, %dma_wait3A_267] : memref<26x32x16384xf32, #tpu.memory_space<hbm>> -> memref<1x1x2048xf32, #tpu.memory_space<hbm>>
          %dma_wait3A_269 = tpu.memref_squeeze %dma_wait3A_268 : memref<1x1x2048xf32, #tpu.memory_space<hbm>> -> memref<2048xf32, #tpu.memory_space<hbm>>
          %dma_wait3A_270 = arith.constant 0 : i32
          %dma_wait3A_271 = tpu.memref_slice %arg4[%dma_wait3A_262, %dma_wait3A_263, %dma_wait3A_270] : memref<26x32x16384xf32, #tpu.memory_space<hbm>> -> memref<1x1x2048xf32, #tpu.memory_space<hbm>>
          %dma_wait3A_272 = tpu.memref_squeeze %dma_wait3A_271 : memref<1x1x2048xf32, #tpu.memory_space<hbm>> -> memref<2048xf32, #tpu.memory_space<hbm>>
          %dma_wait3A_273 = arith.constant 0 : i32
          %dma_wait3A_274 = tpu.memref_slice %arg7[%dma_wait3A_261, %dma_wait3A_273] : memref<2x2048xf32, #tpu.memory_space<vmem>> -> memref<1x2048xf32, #tpu.memory_space<vmem>>
          %dma_wait3A_275 = tpu.memref_squeeze %dma_wait3A_274 : memref<1x2048xf32, #tpu.memory_space<vmem>> -> memref<2048xf32, #tpu.memory_space<vmem>>
          tpu.wait_dma2 semaphore(%arg10 : memref<!tpu.dma_semaphore, #tpu.memory_space<semaphore_mem>>) src(%dma_wait3A_275 : memref<2048xf32, #tpu.memory_space<vmem>>) dst(%dma_wait3A_272 : memref<2048xf32, #tpu.memory_space<hbm>>)
        } else {
        }
        %scan3A_134 = arith.constant 0 : i32
        %scan3A_135 = arith.constant 128 : i32
        %scan3A_136 = arith.addi %scan3A_134, %scan3A_135 : i32
        %scan3A_137 = arith.constant 32 : i32
        scf.for %scan3A_261 = %scan3A_134 to %scan3A_136 step %scan3A_137  : i32 {
          %mul3A_262 = arith.constant 1 : i32
          %mul3A_263 = arith.muli %scan3A_261, %mul3A_262 : i32
          %add3A_264 = arith.constant 0 : i32
          %add3A_265 = arith.addi %add3A_264, %mul3A_263 : i32
          %mul3A_266 = arith.constant 16 : i32
          %mul3A_267 = arith.muli %add3A_265, %mul3A_266 : i32
          %get3A = arith.constant 0 : i32
          %get3A_268 = arith.index_cast %get3A : i32 to index
          %get3A_269 = arith.index_cast %mul3A_267 : i32 to index
          %get3A_270 = tpu.vector_load %arg6[%get3A_268, %get3A_269] {strides = array<i32>} : memref<2x2048xi32, #tpu.memory_space<vmem>>, vector<16xi32>,
          %gather3A = tpu.vector_load_idx %arg5[%get3A_270] : memref<100000xf32, #tpu.memory_space<vmem>>[vector<16xi32>], vector<16xf32>,
          %mul3A_271 = arith.constant 16 : i32
          %mul3A_272 = arith.muli %add3A_265, %mul3A_271 : i32
          %swap3A = arith.constant 0 : i32
          %swap3A_273 = arith.index_cast %swap3A : i32 to index
          %swap3A_274 = arith.index_cast %mul3A_272 : i32 to index
          %swap3A_275 = tpu.vector_load %arg7[%swap3A_273, %swap3A_274] {strides = array<i32>} : memref<2x2048xf32, #tpu.memory_space<vmem>>, vector<16xf32>,
          tpu.vector_store %arg7[%swap3A_273, %swap3A_274], %gather3A {strides = array<i32>} : memref<2x2048xf32, #tpu.memory_space<vmem>>, vector<16xf32>,
          %scan3A_276 = arith.constant 1 : i32
          %scan3A_277 = arith.addi %scan3A_261, %scan3A_276 : i32
          %mul3A_278 = arith.constant 1 : i32
          %mul3A_279 = arith.muli %scan3A_277, %mul3A_278 : i32
          %add3A_280 = arith.constant 0 : i32
          %add3A_281 = arith.addi %add3A_280, %mul3A_279 : i32
          %mul3A_282 = arith.constant 16 : i32
          %mul3A_283 = arith.muli %add3A_281, %mul3A_282 : i32
          %get3A_284 = arith.constant 0 : i32
          %get3A_285 = arith.index_cast %get3A_284 : i32 to index
          %get3A_286 = arith.index_cast %mul3A_283 : i32 to index
          %get3A_287 = tpu.vector_load %arg6[%get3A_285, %get3A_286] {strides = array<i32>} : memref<2x2048xi32, #tpu.memory_space<vmem>>, vector<16xi32>,
          %gather3A_288 = tpu.vector_load_idx %arg5[%get3A_287] : memref<100000xf32, #tpu.memory_space<vmem>>[vector<16xi32>], vector<16xf32>,
          %mul3A_289 = arith.constant 16 : i32
          %mul3A_290 = arith.muli %add3A_281, %mul3A_289 : i32
          %swap3A_291 = arith.constant 0 : i32
          %swap3A_292 = arith.index_cast %swap3A_291 : i32 to index
          %swap3A_293 = arith.index_cast %mul3A_290 : i32 to index
          %swap3A_294 = tpu.vector_load %arg7[%swap3A_292, %swap3A_293] {strides = array<i32>} : memref<2x2048xf32, #tpu.memory_space<vmem>>, vector<16xf32>,
          tpu.vector_store %arg7[%swap3A_292, %swap3A_293], %gather3A_288 {strides = array<i32>} : memref<2x2048xf32, #tpu.memory_space<vmem>>, vector<16xf32>,
          %scan3A_295 = arith.constant 2 : i32
          %scan3A_296 = arith.addi %scan3A_261, %scan3A_295 : i32
          %mul3A_297 = arith.constant 1 : i32
          %mul3A_298 = arith.muli %scan3A_296, %mul3A_297 : i32
          %add3A_299 = arith.constant 0 : i32
          %add3A_300 = arith.addi %add3A_299, %mul3A_298 : i32
          %mul3A_301 = arith.constant 16 : i32
          %mul3A_302 = arith.muli %add3A_300, %mul3A_301 : i32
          %get3A_303 = arith.constant 0 : i32
          %get3A_304 = arith.index_cast %get3A_303 : i32 to index
          %get3A_305 = arith.index_cast %mul3A_302 : i32 to index
          %get3A_306 = tpu.vector_load %arg6[%get3A_304, %get3A_305] {strides = array<i32>} : memref<2x2048xi32, #tpu.memory_space<vmem>>, vector<16xi32>,
          %gather3A_307 = tpu.vector_load_idx %arg5[%get3A_306] : memref<100000xf32, #tpu.memory_space<vmem>>[vector<16xi32>], vector<16xf32>,
          %mul3A_308 = arith.constant 16 : i32
          %mul3A_309 = arith.muli %add3A_300, %mul3A_308 : i32
          %swap3A_310 = arith.constant 0 : i32
          %swap3A_311 = arith.index_cast %swap3A_310 : i32 to index
          %swap3A_312 = arith.index_cast %mul3A_309 : i32 to index
          %swap3A_313 = tpu.vector_load %arg7[%swap3A_311, %swap3A_312] {strides = array<i32>} : memref<2x2048xf32, #tpu.memory_space<vmem>>, vector<16xf32>,
          tpu.vector_store %arg7[%swap3A_311, %swap3A_312], %gather3A_307 {strides = array<i32>} : memref<2x2048xf32, #tpu.memory_space<vmem>>, vector<16xf32>,
          %scan3A_314 = arith.constant 3 : i32
          %scan3A_315 = arith.addi %scan3A_261, %scan3A_314 : i32
          %mul3A_316 = arith.constant 1 : i32
          %mul3A_317 = arith.muli %scan3A_315, %mul3A_316 : i32
          %add3A_318 = arith.constant 0 : i32
          %add3A_319 = arith.addi %add3A_318, %mul3A_317 : i32
          %mul3A_320 = arith.constant 16 : i32
          %mul3A_321 = arith.muli %add3A_319, %mul3A_320 : i32
          %get3A_322 = arith.constant 0 : i32
          %get3A_323 = arith.index_cast %get3A_322 : i32 to index
          %get3A_324 = arith.index_cast %mul3A_321 : i32 to index
          %get3A_325 = tpu.vector_load %arg6[%get3A_323, %get3A_324] {strides = array<i32>} : memref<2x2048xi32, #tpu.memory_space<vmem>>, vector<16xi32>,
          %gather3A_326 = tpu.vector_load_idx %arg5[%get3A_325] : memref<100000xf32, #tpu.memory_space<vmem>>[vector<16xi32>], vector<16xf32>,
          %mul3A_327 = arith.constant 16 : i32
          %mul3A_328 = arith.muli %add3A_319, %mul3A_327 : i32
          %swap3A_329 = arith.constant 0 : i32
          %swap3A_330 = arith.index_cast %swap3A_329 : i32 to index
          %swap3A_331 = arith.index_cast %mul3A_328 : i32 to index
          %swap3A_332 = tpu.vector_load %arg7[%swap3A_330, %swap3A_331] {strides = array<i32>} : memref<2x2048xf32, #tpu.memory_space<vmem>>, vector<16xf32>,
          tpu.vector_store %arg7[%swap3A_330, %swap3A_331], %gather3A_326 {strides = array<i32>} : memref<2x2048xf32, #tpu.memory_space<vmem>>, vector<16xf32>,
          %scan3A_333 = arith.constant 4 : i32
          %scan3A_334 = arith.addi %scan3A_261, %scan3A_333 : i32
          %mul3A_335 = arith.constant 1 : i32
          %mul3A_336 = arith.muli %scan3A_334, %mul3A_335 : i32
          %add3A_337 = arith.constant 0 : i32
          %add3A_338 = arith.addi %add3A_337, %mul3A_336 : i32
          %mul3A_339 = arith.constant 16 : i32
          %mul3A_340 = arith.muli %add3A_338, %mul3A_339 : i32
          %get3A_341 = arith.constant 0 : i32
          %get3A_342 = arith.index_cast %get3A_341 : i32 to index
          %get3A_343 = arith.index_cast %mul3A_340 : i32 to index
          %get3A_344 = tpu.vector_load %arg6[%get3A_342, %get3A_343] {strides = array<i32>} : memref<2x2048xi32, #tpu.memory_space<vmem>>, vector<16xi32>,
          %gather3A_345 = tpu.vector_load_idx %arg5[%get3A_344] : memref<100000xf32, #tpu.memory_space<vmem>>[vector<16xi32>], vector<16xf32>,
          %mul3A_346 = arith.constant 16 : i32
          %mul3A_347 = arith.muli %add3A_338, %mul3A_346 : i32
          %swap3A_348 = arith.constant 0 : i32
          %swap3A_349 = arith.index_cast %swap3A_348 : i32 to index
          %swap3A_350 = arith.index_cast %mul3A_347 : i32 to index
          %swap3A_351 = tpu.vector_load %arg7[%swap3A_349, %swap3A_350] {strides = array<i32>} : memref<2x2048xf32, #tpu.memory_space<vmem>>, vector<16xf32>,
          tpu.vector_store %arg7[%swap3A_349, %swap3A_350], %gather3A_345 {strides = array<i32>} : memref<2x2048xf32, #tpu.memory_space<vmem>>, vector<16xf32>,
          %scan3A_352 = arith.constant 5 : i32
          %scan3A_353 = arith.addi %scan3A_261, %scan3A_352 : i32
          %mul3A_354 = arith.constant 1 : i32
          %mul3A_355 = arith.muli %scan3A_353, %mul3A_354 : i32
          %add3A_356 = arith.constant 0 : i32
          %add3A_357 = arith.addi %add3A_356, %mul3A_355 : i32
          %mul3A_358 = arith.constant 16 : i32
          %mul3A_359 = arith.muli %add3A_357, %mul3A_358 : i32
          %get3A_360 = arith.constant 0 : i32
          %get3A_361 = arith.index_cast %get3A_360 : i32 to index
          %get3A_362 = arith.index_cast %mul3A_359 : i32 to index
          %get3A_363 = tpu.vector_load %arg6[%get3A_361, %get3A_362] {strides = array<i32>} : memref<2x2048xi32, #tpu.memory_space<vmem>>, vector<16xi32>,
          %gather3A_364 = tpu.vector_load_idx %arg5[%get3A_363] : memref<100000xf32, #tpu.memory_space<vmem>>[vector<16xi32>], vector<16xf32>,
          %mul3A_365 = arith.constant 16 : i32
          %mul3A_366 = arith.muli %add3A_357, %mul3A_365 : i32
          %swap3A_367 = arith.constant 0 : i32
          %swap3A_368 = arith.index_cast %swap3A_367 : i32 to index
          %swap3A_369 = arith.index_cast %mul3A_366 : i32 to index
          %swap3A_370 = tpu.vector_load %arg7[%swap3A_368, %swap3A_369] {strides = array<i32>} : memref<2x2048xf32, #tpu.memory_space<vmem>>, vector<16xf32>,
          tpu.vector_store %arg7[%swap3A_368, %swap3A_369], %gather3A_364 {strides = array<i32>} : memref<2x2048xf32, #tpu.memory_space<vmem>>, vector<16xf32>,
          %scan3A_371 = arith.constant 6 : i32
          %scan3A_372 = arith.addi %scan3A_261, %scan3A_371 : i32
          %mul3A_373 = arith.constant 1 : i32
          %mul3A_374 = arith.muli %scan3A_372, %mul3A_373 : i32
          %add3A_375 = arith.constant 0 : i32
          %add3A_376 = arith.addi %add3A_375, %mul3A_374 : i32
          %mul3A_377 = arith.constant 16 : i32
          %mul3A_378 = arith.muli %add3A_376, %mul3A_377 : i32
          %get3A_379 = arith.constant 0 : i32
          %get3A_380 = arith.index_cast %get3A_379 : i32 to index
          %get3A_381 = arith.index_cast %mul3A_378 : i32 to index
          %get3A_382 = tpu.vector_load %arg6[%get3A_380, %get3A_381] {strides = array<i32>} : memref<2x2048xi32, #tpu.memory_space<vmem>>, vector<16xi32>,
          %gather3A_383 = tpu.vector_load_idx %arg5[%get3A_382] : memref<100000xf32, #tpu.memory_space<vmem>>[vector<16xi32>], vector<16xf32>,
          %mul3A_384 = arith.constant 16 : i32
          %mul3A_385 = arith.muli %add3A_376, %mul3A_384 : i32
          %swap3A_386 = arith.constant 0 : i32
          %swap3A_387 = arith.index_cast %swap3A_386 : i32 to index
          %swap3A_388 = arith.index_cast %mul3A_385 : i32 to index
          %swap3A_389 = tpu.vector_load %arg7[%swap3A_387, %swap3A_388] {strides = array<i32>} : memref<2x2048xf32, #tpu.memory_space<vmem>>, vector<16xf32>,
          tpu.vector_store %arg7[%swap3A_387, %swap3A_388], %gather3A_383 {strides = array<i32>} : memref<2x2048xf32, #tpu.memory_space<vmem>>, vector<16xf32>,
          %scan3A_390 = arith.constant 7 : i32
          %scan3A_391 = arith.addi %scan3A_261, %scan3A_390 : i32
          %mul3A_392 = arith.constant 1 : i32
          %mul3A_393 = arith.muli %scan3A_391, %mul3A_392 : i32
          %add3A_394 = arith.constant 0 : i32
          %add3A_395 = arith.addi %add3A_394, %mul3A_393 : i32
          %mul3A_396 = arith.constant 16 : i32
          %mul3A_397 = arith.muli %add3A_395, %mul3A_396 : i32
          %get3A_398 = arith.constant 0 : i32
          %get3A_399 = arith.index_cast %get3A_398 : i32 to index
          %get3A_400 = arith.index_cast %mul3A_397 : i32 to index
          %get3A_401 = tpu.vector_load %arg6[%get3A_399, %get3A_400] {strides = array<i32>} : memref<2x2048xi32, #tpu.memory_space<vmem>>, vector<16xi32>,
          %gather3A_402 = tpu.vector_load_idx %arg5[%get3A_401] : memref<100000xf32, #tpu.memory_space<vmem>>[vector<16xi32>], vector<16xf32>,
          %mul3A_403 = arith.constant 16 : i32
          %mul3A_404 = arith.muli %add3A_395, %mul3A_403 : i32
          %swap3A_405 = arith.constant 0 : i32
          %swap3A_406 = arith.index_cast %swap3A_405 : i32 to index
          %swap3A_407 = arith.index_cast %mul3A_404 : i32 to index
          %swap3A_408 = tpu.vector_load %arg7[%swap3A_406, %swap3A_407] {strides = array<i32>} : memref<2x2048xf32, #tpu.memory_space<vmem>>, vector<16xf32>,
          tpu.vector_store %arg7[%swap3A_406, %swap3A_407], %gather3A_402 {strides = array<i32>} : memref<2x2048xf32, #tpu.memory_space<vmem>>, vector<16xf32>,
          %scan3A_409 = arith.constant 8 : i32
          %scan3A_410 = arith.addi %scan3A_261, %scan3A_409 : i32
          %mul3A_411 = arith.constant 1 : i32
          %mul3A_412 = arith.muli %scan3A_410, %mul3A_411 : i32
          %add3A_413 = arith.constant 0 : i32
          %add3A_414 = arith.addi %add3A_413, %mul3A_412 : i32
          %mul3A_415 = arith.constant 16 : i32
          %mul3A_416 = arith.muli %add3A_414, %mul3A_415 : i32
          %get3A_417 = arith.constant 0 : i32
          %get3A_418 = arith.index_cast %get3A_417 : i32 to index
          %get3A_419 = arith.index_cast %mul3A_416 : i32 to index
          %get3A_420 = tpu.vector_load %arg6[%get3A_418, %get3A_419] {strides = array<i32>} : memref<2x2048xi32, #tpu.memory_space<vmem>>, vector<16xi32>,
          %gather3A_421 = tpu.vector_load_idx %arg5[%get3A_420] : memref<100000xf32, #tpu.memory_space<vmem>>[vector<16xi32>], vector<16xf32>,
          %mul3A_422 = arith.constant 16 : i32
          %mul3A_423 = arith.muli %add3A_414, %mul3A_422 : i32
          %swap3A_424 = arith.constant 0 : i32
          %swap3A_425 = arith.index_cast %swap3A_424 : i32 to index
          %swap3A_426 = arith.index_cast %mul3A_423 : i32 to index
          %swap3A_427 = tpu.vector_load %arg7[%swap3A_425, %swap3A_426] {strides = array<i32>} : memref<2x2048xf32, #tpu.memory_space<vmem>>, vector<16xf32>,
          tpu.vector_store %arg7[%swap3A_425, %swap3A_426], %gather3A_421 {strides = array<i32>} : memref<2x2048xf32, #tpu.memory_space<vmem>>, vector<16xf32>,
          %scan3A_428 = arith.constant 9 : i32
          %scan3A_429 = arith.addi %scan3A_261, %scan3A_428 : i32
          %mul3A_430 = arith.constant 1 : i32
          %mul3A_431 = arith.muli %scan3A_429, %mul3A_430 : i32
          %add3A_432 = arith.constant 0 : i32
          %add3A_433 = arith.addi %add3A_432, %mul3A_431 : i32
          %mul3A_434 = arith.constant 16 : i32
          %mul3A_435 = arith.muli %add3A_433, %mul3A_434 : i32
          %get3A_436 = arith.constant 0 : i32
          %get3A_437 = arith.index_cast %get3A_436 : i32 to index
          %get3A_438 = arith.index_cast %mul3A_435 : i32 to index
          %get3A_439 = tpu.vector_load %arg6[%get3A_437, %get3A_438] {strides = array<i32>} : memref<2x2048xi32, #tpu.memory_space<vmem>>, vector<16xi32>,
          %gather3A_440 = tpu.vector_load_idx %arg5[%get3A_439] : memref<100000xf32, #tpu.memory_space<vmem>>[vector<16xi32>], vector<16xf32>,
          %mul3A_441 = arith.constant 16 : i32
          %mul3A_442 = arith.muli %add3A_433, %mul3A_441 : i32
          %swap3A_443 = arith.constant 0 : i32
          %swap3A_444 = arith.index_cast %swap3A_443 : i32 to index
          %swap3A_445 = arith.index_cast %mul3A_442 : i32 to index
          %swap3A_446 = tpu.vector_load %arg7[%swap3A_444, %swap3A_445] {strides = array<i32>} : memref<2x2048xf32, #tpu.memory_space<vmem>>, vector<16xf32>,
          tpu.vector_store %arg7[%swap3A_444, %swap3A_445], %gather3A_440 {strides = array<i32>} : memref<2x2048xf32, #tpu.memory_space<vmem>>, vector<16xf32>,
          %scan3A_447 = arith.constant 10 : i32
          %scan3A_448 = arith.addi %scan3A_261, %scan3A_447 : i32
          %mul3A_449 = arith.constant 1 : i32
          %mul3A_450 = arith.muli %scan3A_448, %mul3A_449 : i32
          %add3A_451 = arith.constant 0 : i32
          %add3A_452 = arith.addi %add3A_451, %mul3A_450 : i32
          %mul3A_453 = arith.constant 16 : i32
          %mul3A_454 = arith.muli %add3A_452, %mul3A_453 : i32
          %get3A_455 = arith.constant 0 : i32
          %get3A_456 = arith.index_cast %get3A_455 : i32 to index
          %get3A_457 = arith.index_cast %mul3A_454 : i32 to index
          %get3A_458 = tpu.vector_load %arg6[%get3A_456, %get3A_457] {strides = array<i32>} : memref<2x2048xi32, #tpu.memory_space<vmem>>, vector<16xi32>,
          %gather3A_459 = tpu.vector_load_idx %arg5[%get3A_458] : memref<100000xf32, #tpu.memory_space<vmem>>[vector<16xi32>], vector<16xf32>,
          %mul3A_460 = arith.constant 16 : i32
          %mul3A_461 = arith.muli %add3A_452, %mul3A_460 : i32
          %swap3A_462 = arith.constant 0 : i32
          %swap3A_463 = arith.index_cast %swap3A_462 : i32 to index
          %swap3A_464 = arith.index_cast %mul3A_461 : i32 to index
          %swap3A_465 = tpu.vector_load %arg7[%swap3A_463, %swap3A_464] {strides = array<i32>} : memref<2x2048xf32, #tpu.memory_space<vmem>>, vector<16xf32>,
          tpu.vector_store %arg7[%swap3A_463, %swap3A_464], %gather3A_459 {strides = array<i32>} : memref<2x2048xf32, #tpu.memory_space<vmem>>, vector<16xf32>,
          %scan3A_466 = arith.constant 11 : i32
          %scan3A_467 = arith.addi %scan3A_261, %scan3A_466 : i32
          %mul3A_468 = arith.constant 1 : i32
          %mul3A_469 = arith.muli %scan3A_467, %mul3A_468 : i32
          %add3A_470 = arith.constant 0 : i32
          %add3A_471 = arith.addi %add3A_470, %mul3A_469 : i32
          %mul3A_472 = arith.constant 16 : i32
          %mul3A_473 = arith.muli %add3A_471, %mul3A_472 : i32
          %get3A_474 = arith.constant 0 : i32
          %get3A_475 = arith.index_cast %get3A_474 : i32 to index
          %get3A_476 = arith.index_cast %mul3A_473 : i32 to index
          %get3A_477 = tpu.vector_load %arg6[%get3A_475, %get3A_476] {strides = array<i32>} : memref<2x2048xi32, #tpu.memory_space<vmem>>, vector<16xi32>,
          %gather3A_478 = tpu.vector_load_idx %arg5[%get3A_477] : memref<100000xf32, #tpu.memory_space<vmem>>[vector<16xi32>], vector<16xf32>,
          %mul3A_479 = arith.constant 16 : i32
          %mul3A_480 = arith.muli %add3A_471, %mul3A_479 : i32
          %swap3A_481 = arith.constant 0 : i32
          %swap3A_482 = arith.index_cast %swap3A_481 : i32 to index
          %swap3A_483 = arith.index_cast %mul3A_480 : i32 to index
          %swap3A_484 = tpu.vector_load %arg7[%swap3A_482, %swap3A_483] {strides = array<i32>} : memref<2x2048xf32, #tpu.memory_space<vmem>>, vector<16xf32>,
          tpu.vector_store %arg7[%swap3A_482, %swap3A_483], %gather3A_478 {strides = array<i32>} : memref<2x2048xf32, #tpu.memory_space<vmem>>, vector<16xf32>,
          %scan3A_485 = arith.constant 12 : i32
          %scan3A_486 = arith.addi %scan3A_261, %scan3A_485 : i32
          %mul3A_487 = arith.constant 1 : i32
          %mul3A_488 = arith.muli %scan3A_486, %mul3A_487 : i32
          %add3A_489 = arith.constant 0 : i32
          %add3A_490 = arith.addi %add3A_489, %mul3A_488 : i32
          %mul3A_491 = arith.constant 16 : i32
          %mul3A_492 = arith.muli %add3A_490, %mul3A_491 : i32
          %get3A_493 = arith.constant 0 : i32
          %get3A_494 = arith.index_cast %get3A_493 : i32 to index
          %get3A_495 = arith.index_cast %mul3A_492 : i32 to index
          %get3A_496 = tpu.vector_load %arg6[%get3A_494, %get3A_495] {strides = array<i32>} : memref<2x2048xi32, #tpu.memory_space<vmem>>, vector<16xi32>,
          %gather3A_497 = tpu.vector_load_idx %arg5[%get3A_496] : memref<100000xf32, #tpu.memory_space<vmem>>[vector<16xi32>], vector<16xf32>,
          %mul3A_498 = arith.constant 16 : i32
          %mul3A_499 = arith.muli %add3A_490, %mul3A_498 : i32
          %swap3A_500 = arith.constant 0 : i32
          %swap3A_501 = arith.index_cast %swap3A_500 : i32 to index
          %swap3A_502 = arith.index_cast %mul3A_499 : i32 to index
          %swap3A_503 = tpu.vector_load %arg7[%swap3A_501, %swap3A_502] {strides = array<i32>} : memref<2x2048xf32, #tpu.memory_space<vmem>>, vector<16xf32>,
          tpu.vector_store %arg7[%swap3A_501, %swap3A_502], %gather3A_497 {strides = array<i32>} : memref<2x2048xf32, #tpu.memory_space<vmem>>, vector<16xf32>,
          %scan3A_504 = arith.constant 13 : i32
          %scan3A_505 = arith.addi %scan3A_261, %scan3A_504 : i32
          %mul3A_506 = arith.constant 1 : i32
          %mul3A_507 = arith.muli %scan3A_505, %mul3A_506 : i32
          %add3A_508 = arith.constant 0 : i32
          %add3A_509 = arith.addi %add3A_508, %mul3A_507 : i32
          %mul3A_510 = arith.constant 16 : i32
          %mul3A_511 = arith.muli %add3A_509, %mul3A_510 : i32
          %get3A_512 = arith.constant 0 : i32
          %get3A_513 = arith.index_cast %get3A_512 : i32 to index
          %get3A_514 = arith.index_cast %mul3A_511 : i32 to index
          %get3A_515 = tpu.vector_load %arg6[%get3A_513, %get3A_514] {strides = array<i32>} : memref<2x2048xi32, #tpu.memory_space<vmem>>, vector<16xi32>,
          %gather3A_516 = tpu.vector_load_idx %arg5[%get3A_515] : memref<100000xf32, #tpu.memory_space<vmem>>[vector<16xi32>], vector<16xf32>,
          %mul3A_517 = arith.constant 16 : i32
          %mul3A_518 = arith.muli %add3A_509, %mul3A_517 : i32
          %swap3A_519 = arith.constant 0 : i32
          %swap3A_520 = arith.index_cast %swap3A_519 : i32 to index
          %swap3A_521 = arith.index_cast %mul3A_518 : i32 to index
          %swap3A_522 = tpu.vector_load %arg7[%swap3A_520, %swap3A_521] {strides = array<i32>} : memref<2x2048xf32, #tpu.memory_space<vmem>>, vector<16xf32>,
          tpu.vector_store %arg7[%swap3A_520, %swap3A_521], %gather3A_516 {strides = array<i32>} : memref<2x2048xf32, #tpu.memory_space<vmem>>, vector<16xf32>,
          %scan3A_523 = arith.constant 14 : i32
          %scan3A_524 = arith.addi %scan3A_261, %scan3A_523 : i32
          %mul3A_525 = arith.constant 1 : i32
          %mul3A_526 = arith.muli %scan3A_524, %mul3A_525 : i32
          %add3A_527 = arith.constant 0 : i32
          %add3A_528 = arith.addi %add3A_527, %mul3A_526 : i32
          %mul3A_529 = arith.constant 16 : i32
          %mul3A_530 = arith.muli %add3A_528, %mul3A_529 : i32
          %get3A_531 = arith.constant 0 : i32
          %get3A_532 = arith.index_cast %get3A_531 : i32 to index
          %get3A_533 = arith.index_cast %mul3A_530 : i32 to index
          %get3A_534 = tpu.vector_load %arg6[%get3A_532, %get3A_533] {strides = array<i32>} : memref<2x2048xi32, #tpu.memory_space<vmem>>, vector<16xi32>,
          %gather3A_535 = tpu.vector_load_idx %arg5[%get3A_534] : memref<100000xf32, #tpu.memory_space<vmem>>[vector<16xi32>], vector<16xf32>,
          %mul3A_536 = arith.constant 16 : i32
          %mul3A_537 = arith.muli %add3A_528, %mul3A_536 : i32
          %swap3A_538 = arith.constant 0 : i32
          %swap3A_539 = arith.index_cast %swap3A_538 : i32 to index
          %swap3A_540 = arith.index_cast %mul3A_537 : i32 to index
          %swap3A_541 = tpu.vector_load %arg7[%swap3A_539, %swap3A_540] {strides = array<i32>} : memref<2x2048xf32, #tpu.memory_space<vmem>>, vector<16xf32>,
          tpu.vector_store %arg7[%swap3A_539, %swap3A_540], %gather3A_535 {strides = array<i32>} : memref<2x2048xf32, #tpu.memory_space<vmem>>, vector<16xf32>,
          %scan3A_542 = arith.constant 15 : i32
          %scan3A_543 = arith.addi %scan3A_261, %scan3A_542 : i32
          %mul3A_544 = arith.constant 1 : i32
          %mul3A_545 = arith.muli %scan3A_543, %mul3A_544 : i32
          %add3A_546 = arith.constant 0 : i32
          %add3A_547 = arith.addi %add3A_546, %mul3A_545 : i32
          %mul3A_548 = arith.constant 16 : i32
          %mul3A_549 = arith.muli %add3A_547, %mul3A_548 : i32
          %get3A_550 = arith.constant 0 : i32
          %get3A_551 = arith.index_cast %get3A_550 : i32 to index
          %get3A_552 = arith.index_cast %mul3A_549 : i32 to index
          %get3A_553 = tpu.vector_load %arg6[%get3A_551, %get3A_552] {strides = array<i32>} : memref<2x2048xi32, #tpu.memory_space<vmem>>, vector<16xi32>,
          %gather3A_554 = tpu.vector_load_idx %arg5[%get3A_553] : memref<100000xf32, #tpu.memory_space<vmem>>[vector<16xi32>], vector<16xf32>,
          %mul3A_555 = arith.constant 16 : i32
          %mul3A_556 = arith.muli %add3A_547, %mul3A_555 : i32
          %swap3A_557 = arith.constant 0 : i32
          %swap3A_558 = arith.index_cast %swap3A_557 : i32 to index
          %swap3A_559 = arith.index_cast %mul3A_556 : i32 to index
          %swap3A_560 = tpu.vector_load %arg7[%swap3A_558, %swap3A_559] {strides = array<i32>} : memref<2x2048xf32, #tpu.memory_space<vmem>>, vector<16xf32>,
          tpu.vector_store %arg7[%swap3A_558, %swap3A_559], %gather3A_554 {strides = array<i32>} : memref<2x2048xf32, #tpu.memory_space<vmem>>, vector<16xf32>,
          %scan3A_561 = arith.constant 16 : i32
          %scan3A_562 = arith.addi %scan3A_261, %scan3A_561 : i32
          %mul3A_563 = arith.constant 1 : i32
          %mul3A_564 = arith.muli %scan3A_562, %mul3A_563 : i32
          %add3A_565 = arith.constant 0 : i32
          %add3A_566 = arith.addi %add3A_565, %mul3A_564 : i32
          %mul3A_567 = arith.constant 16 : i32
          %mul3A_568 = arith.muli %add3A_566, %mul3A_567 : i32
          %get3A_569 = arith.constant 0 : i32
          %get3A_570 = arith.index_cast %get3A_569 : i32 to index
          %get3A_571 = arith.index_cast %mul3A_568 : i32 to index
          %get3A_572 = tpu.vector_load %arg6[%get3A_570, %get3A_571] {strides = array<i32>} : memref<2x2048xi32, #tpu.memory_space<vmem>>, vector<16xi32>,
          %gather3A_573 = tpu.vector_load_idx %arg5[%get3A_572] : memref<100000xf32, #tpu.memory_space<vmem>>[vector<16xi32>], vector<16xf32>,
          %mul3A_574 = arith.constant 16 : i32
          %mul3A_575 = arith.muli %add3A_566, %mul3A_574 : i32
          %swap3A_576 = arith.constant 0 : i32
          %swap3A_577 = arith.index_cast %swap3A_576 : i32 to index
          %swap3A_578 = arith.index_cast %mul3A_575 : i32 to index
          %swap3A_579 = tpu.vector_load %arg7[%swap3A_577, %swap3A_578] {strides = array<i32>} : memref<2x2048xf32, #tpu.memory_space<vmem>>, vector<16xf32>,
          tpu.vector_store %arg7[%swap3A_577, %swap3A_578], %gather3A_573 {strides = array<i32>} : memref<2x2048xf32, #tpu.memory_space<vmem>>, vector<16xf32>,
          %scan3A_580 = arith.constant 17 : i32
          %scan3A_581 = arith.addi %scan3A_261, %scan3A_580 : i32
          %mul3A_582 = arith.constant 1 : i32
          %mul3A_583 = arith.muli %scan3A_581, %mul3A_582 : i32
          %add3A_584 = arith.constant 0 : i32
          %add3A_585 = arith.addi %add3A_584, %mul3A_583 : i32
          %mul3A_586 = arith.constant 16 : i32
          %mul3A_587 = arith.muli %add3A_585, %mul3A_586 : i32
          %get3A_588 = arith.constant 0 : i32
          %get3A_589 = arith.index_cast %get3A_588 : i32 to index
          %get3A_590 = arith.index_cast %mul3A_587 : i32 to index
          %get3A_591 = tpu.vector_load %arg6[%get3A_589, %get3A_590] {strides = array<i32>} : memref<2x2048xi32, #tpu.memory_space<vmem>>, vector<16xi32>,
          %gather3A_592 = tpu.vector_load_idx %arg5[%get3A_591] : memref<100000xf32, #tpu.memory_space<vmem>>[vector<16xi32>], vector<16xf32>,
          %mul3A_593 = arith.constant 16 : i32
          %mul3A_594 = arith.muli %add3A_585, %mul3A_593 : i32
          %swap3A_595 = arith.constant 0 : i32
          %swap3A_596 = arith.index_cast %swap3A_595 : i32 to index
          %swap3A_597 = arith.index_cast %mul3A_594 : i32 to index
          %swap3A_598 = tpu.vector_load %arg7[%swap3A_596, %swap3A_597] {strides = array<i32>} : memref<2x2048xf32, #tpu.memory_space<vmem>>, vector<16xf32>,
          tpu.vector_store %arg7[%swap3A_596, %swap3A_597], %gather3A_592 {strides = array<i32>} : memref<2x2048xf32, #tpu.memory_space<vmem>>, vector<16xf32>,
          %scan3A_599 = arith.constant 18 : i32
          %scan3A_600 = arith.addi %scan3A_261, %scan3A_599 : i32
          %mul3A_601 = arith.constant 1 : i32
          %mul3A_602 = arith.muli %scan3A_600, %mul3A_601 : i32
          %add3A_603 = arith.constant 0 : i32
          %add3A_604 = arith.addi %add3A_603, %mul3A_602 : i32
          %mul3A_605 = arith.constant 16 : i32
          %mul3A_606 = arith.muli %add3A_604, %mul3A_605 : i32
          %get3A_607 = arith.constant 0 : i32
          %get3A_608 = arith.index_cast %get3A_607 : i32 to index
          %get3A_609 = arith.index_cast %mul3A_606 : i32 to index
          %get3A_610 = tpu.vector_load %arg6[%get3A_608, %get3A_609] {strides = array<i32>} : memref<2x2048xi32, #tpu.memory_space<vmem>>, vector<16xi32>,
          %gather3A_611 = tpu.vector_load_idx %arg5[%get3A_610] : memref<100000xf32, #tpu.memory_space<vmem>>[vector<16xi32>], vector<16xf32>,
          %mul3A_612 = arith.constant 16 : i32
          %mul3A_613 = arith.muli %add3A_604, %mul3A_612 : i32
          %swap3A_614 = arith.constant 0 : i32
          %swap3A_615 = arith.index_cast %swap3A_614 : i32 to index
          %swap3A_616 = arith.index_cast %mul3A_613 : i32 to index
          %swap3A_617 = tpu.vector_load %arg7[%swap3A_615, %swap3A_616] {strides = array<i32>} : memref<2x2048xf32, #tpu.memory_space<vmem>>, vector<16xf32>,
          tpu.vector_store %arg7[%swap3A_615, %swap3A_616], %gather3A_611 {strides = array<i32>} : memref<2x2048xf32, #tpu.memory_space<vmem>>, vector<16xf32>,
          %scan3A_618 = arith.constant 19 : i32
          %scan3A_619 = arith.addi %scan3A_261, %scan3A_618 : i32
          %mul3A_620 = arith.constant 1 : i32
          %mul3A_621 = arith.muli %scan3A_619, %mul3A_620 : i32
          %add3A_622 = arith.constant 0 : i32
          %add3A_623 = arith.addi %add3A_622, %mul3A_621 : i32
          %mul3A_624 = arith.constant 16 : i32
          %mul3A_625 = arith.muli %add3A_623, %mul3A_624 : i32
          %get3A_626 = arith.constant 0 : i32
          %get3A_627 = arith.index_cast %get3A_626 : i32 to index
          %get3A_628 = arith.index_cast %mul3A_625 : i32 to index
          %get3A_629 = tpu.vector_load %arg6[%get3A_627, %get3A_628] {strides = array<i32>} : memref<2x2048xi32, #tpu.memory_space<vmem>>, vector<16xi32>,
          %gather3A_630 = tpu.vector_load_idx %arg5[%get3A_629] : memref<100000xf32, #tpu.memory_space<vmem>>[vector<16xi32>], vector<16xf32>,
          %mul3A_631 = arith.constant 16 : i32
          %mul3A_632 = arith.muli %add3A_623, %mul3A_631 : i32
          %swap3A_633 = arith.constant 0 : i32
          %swap3A_634 = arith.index_cast %swap3A_633 : i32 to index
          %swap3A_635 = arith.index_cast %mul3A_632 : i32 to index
          %swap3A_636 = tpu.vector_load %arg7[%swap3A_634, %swap3A_635] {strides = array<i32>} : memref<2x2048xf32, #tpu.memory_space<vmem>>, vector<16xf32>,
          tpu.vector_store %arg7[%swap3A_634, %swap3A_635], %gather3A_630 {strides = array<i32>} : memref<2x2048xf32, #tpu.memory_space<vmem>>, vector<16xf32>,
          %scan3A_637 = arith.constant 20 : i32
          %scan3A_638 = arith.addi %scan3A_261, %scan3A_637 : i32
          %mul3A_639 = arith.constant 1 : i32
          %mul3A_640 = arith.muli %scan3A_638, %mul3A_639 : i32
          %add3A_641 = arith.constant 0 : i32
          %add3A_642 = arith.addi %add3A_641, %mul3A_640 : i32
          %mul3A_643 = arith.constant 16 : i32
          %mul3A_644 = arith.muli %add3A_642, %mul3A_643 : i32
          %get3A_645 = arith.constant 0 : i32
          %get3A_646 = arith.index_cast %get3A_645 : i32 to index
          %get3A_647 = arith.index_cast %mul3A_644 : i32 to index
          %get3A_648 = tpu.vector_load %arg6[%get3A_646, %get3A_647] {strides = array<i32>} : memref<2x2048xi32, #tpu.memory_space<vmem>>, vector<16xi32>,
          %gather3A_649 = tpu.vector_load_idx %arg5[%get3A_648] : memref<100000xf32, #tpu.memory_space<vmem>>[vector<16xi32>], vector<16xf32>,
          %mul3A_650 = arith.constant 16 : i32
          %mul3A_651 = arith.muli %add3A_642, %mul3A_650 : i32
          %swap3A_652 = arith.constant 0 : i32
          %swap3A_653 = arith.index_cast %swap3A_652 : i32 to index
          %swap3A_654 = arith.index_cast %mul3A_651 : i32 to index
          %swap3A_655 = tpu.vector_load %arg7[%swap3A_653, %swap3A_654] {strides = array<i32>} : memref<2x2048xf32, #tpu.memory_space<vmem>>, vector<16xf32>,
          tpu.vector_store %arg7[%swap3A_653, %swap3A_654], %gather3A_649 {strides = array<i32>} : memref<2x2048xf32, #tpu.memory_space<vmem>>, vector<16xf32>,
          %scan3A_656 = arith.constant 21 : i32
          %scan3A_657 = arith.addi %scan3A_261, %scan3A_656 : i32
          %mul3A_658 = arith.constant 1 : i32
          %mul3A_659 = arith.muli %scan3A_657, %mul3A_658 : i32
          %add3A_660 = arith.constant 0 : i32
          %add3A_661 = arith.addi %add3A_660, %mul3A_659 : i32
          %mul3A_662 = arith.constant 16 : i32
          %mul3A_663 = arith.muli %add3A_661, %mul3A_662 : i32
          %get3A_664 = arith.constant 0 : i32
          %get3A_665 = arith.index_cast %get3A_664 : i32 to index
          %get3A_666 = arith.index_cast %mul3A_663 : i32 to index
          %get3A_667 = tpu.vector_load %arg6[%get3A_665, %get3A_666] {strides = array<i32>} : memref<2x2048xi32, #tpu.memory_space<vmem>>, vector<16xi32>,
          %gather3A_668 = tpu.vector_load_idx %arg5[%get3A_667] : memref<100000xf32, #tpu.memory_space<vmem>>[vector<16xi32>], vector<16xf32>,
          %mul3A_669 = arith.constant 16 : i32
          %mul3A_670 = arith.muli %add3A_661, %mul3A_669 : i32
          %swap3A_671 = arith.constant 0 : i32
          %swap3A_672 = arith.index_cast %swap3A_671 : i32 to index
          %swap3A_673 = arith.index_cast %mul3A_670 : i32 to index
          %swap3A_674 = tpu.vector_load %arg7[%swap3A_672, %swap3A_673] {strides = array<i32>} : memref<2x2048xf32, #tpu.memory_space<vmem>>, vector<16xf32>,
          tpu.vector_store %arg7[%swap3A_672, %swap3A_673], %gather3A_668 {strides = array<i32>} : memref<2x2048xf32, #tpu.memory_space<vmem>>, vector<16xf32>,
          %scan3A_675 = arith.constant 22 : i32
          %scan3A_676 = arith.addi %scan3A_261, %scan3A_675 : i32
          %mul3A_677 = arith.constant 1 : i32
          %mul3A_678 = arith.muli %scan3A_676, %mul3A_677 : i32
          %add3A_679 = arith.constant 0 : i32
          %add3A_680 = arith.addi %add3A_679, %mul3A_678 : i32
          %mul3A_681 = arith.constant 16 : i32
          %mul3A_682 = arith.muli %add3A_680, %mul3A_681 : i32
          %get3A_683 = arith.constant 0 : i32
          %get3A_684 = arith.index_cast %get3A_683 : i32 to index
          %get3A_685 = arith.index_cast %mul3A_682 : i32 to index
          %get3A_686 = tpu.vector_load %arg6[%get3A_684, %get3A_685] {strides = array<i32>} : memref<2x2048xi32, #tpu.memory_space<vmem>>, vector<16xi32>,
          %gather3A_687 = tpu.vector_load_idx %arg5[%get3A_686] : memref<100000xf32, #tpu.memory_space<vmem>>[vector<16xi32>], vector<16xf32>,
          %mul3A_688 = arith.constant 16 : i32
          %mul3A_689 = arith.muli %add3A_680, %mul3A_688 : i32
          %swap3A_690 = arith.constant 0 : i32
          %swap3A_691 = arith.index_cast %swap3A_690 : i32 to index
          %swap3A_692 = arith.index_cast %mul3A_689 : i32 to index
          %swap3A_693 = tpu.vector_load %arg7[%swap3A_691, %swap3A_692] {strides = array<i32>} : memref<2x2048xf32, #tpu.memory_space<vmem>>, vector<16xf32>,
          tpu.vector_store %arg7[%swap3A_691, %swap3A_692], %gather3A_687 {strides = array<i32>} : memref<2x2048xf32, #tpu.memory_space<vmem>>, vector<16xf32>,
          %scan3A_694 = arith.constant 23 : i32
          %scan3A_695 = arith.addi %scan3A_261, %scan3A_694 : i32
          %mul3A_696 = arith.constant 1 : i32
          %mul3A_697 = arith.muli %scan3A_695, %mul3A_696 : i32
          %add3A_698 = arith.constant 0 : i32
          %add3A_699 = arith.addi %add3A_698, %mul3A_697 : i32
          %mul3A_700 = arith.constant 16 : i32
          %mul3A_701 = arith.muli %add3A_699, %mul3A_700 : i32
          %get3A_702 = arith.constant 0 : i32
          %get3A_703 = arith.index_cast %get3A_702 : i32 to index
          %get3A_704 = arith.index_cast %mul3A_701 : i32 to index
          %get3A_705 = tpu.vector_load %arg6[%get3A_703, %get3A_704] {strides = array<i32>} : memref<2x2048xi32, #tpu.memory_space<vmem>>, vector<16xi32>,
          %gather3A_706 = tpu.vector_load_idx %arg5[%get3A_705] : memref<100000xf32, #tpu.memory_space<vmem>>[vector<16xi32>], vector<16xf32>,
          %mul3A_707 = arith.constant 16 : i32
          %mul3A_708 = arith.muli %add3A_699, %mul3A_707 : i32
          %swap3A_709 = arith.constant 0 : i32
          %swap3A_710 = arith.index_cast %swap3A_709 : i32 to index
          %swap3A_711 = arith.index_cast %mul3A_708 : i32 to index
          %swap3A_712 = tpu.vector_load %arg7[%swap3A_710, %swap3A_711] {strides = array<i32>} : memref<2x2048xf32, #tpu.memory_space<vmem>>, vector<16xf32>,
          tpu.vector_store %arg7[%swap3A_710, %swap3A_711], %gather3A_706 {strides = array<i32>} : memref<2x2048xf32, #tpu.memory_space<vmem>>, vector<16xf32>,
          %scan3A_713 = arith.constant 24 : i32
          %scan3A_714 = arith.addi %scan3A_261, %scan3A_713 : i32
          %mul3A_715 = arith.constant 1 : i32
          %mul3A_716 = arith.muli %scan3A_714, %mul3A_715 : i32
          %add3A_717 = arith.constant 0 : i32
          %add3A_718 = arith.addi %add3A_717, %mul3A_716 : i32
          %mul3A_719 = arith.constant 16 : i32
          %mul3A_720 = arith.muli %add3A_718, %mul3A_719 : i32
          %get3A_721 = arith.constant 0 : i32
          %get3A_722 = arith.index_cast %get3A_721 : i32 to index
          %get3A_723 = arith.index_cast %mul3A_720 : i32 to index
          %get3A_724 = tpu.vector_load %arg6[%get3A_722, %get3A_723] {strides = array<i32>} : memref<2x2048xi32, #tpu.memory_space<vmem>>, vector<16xi32>,
          %gather3A_725 = tpu.vector_load_idx %arg5[%get3A_724] : memref<100000xf32, #tpu.memory_space<vmem>>[vector<16xi32>], vector<16xf32>,
          %mul3A_726 = arith.constant 16 : i32
          %mul3A_727 = arith.muli %add3A_718, %mul3A_726 : i32
          %swap3A_728 = arith.constant 0 : i32
          %swap3A_729 = arith.index_cast %swap3A_728 : i32 to index
          %swap3A_730 = arith.index_cast %mul3A_727 : i32 to index
          %swap3A_731 = tpu.vector_load %arg7[%swap3A_729, %swap3A_730] {strides = array<i32>} : memref<2x2048xf32, #tpu.memory_space<vmem>>, vector<16xf32>,
          tpu.vector_store %arg7[%swap3A_729, %swap3A_730], %gather3A_725 {strides = array<i32>} : memref<2x2048xf32, #tpu.memory_space<vmem>>, vector<16xf32>,
          %scan3A_732 = arith.constant 25 : i32
          %scan3A_733 = arith.addi %scan3A_261, %scan3A_732 : i32
          %mul3A_734 = arith.constant 1 : i32
          %mul3A_735 = arith.muli %scan3A_733, %mul3A_734 : i32
          %add3A_736 = arith.constant 0 : i32
          %add3A_737 = arith.addi %add3A_736, %mul3A_735 : i32
          %mul3A_738 = arith.constant 16 : i32
          %mul3A_739 = arith.muli %add3A_737, %mul3A_738 : i32
          %get3A_740 = arith.constant 0 : i32
          %get3A_741 = arith.index_cast %get3A_740 : i32 to index
          %get3A_742 = arith.index_cast %mul3A_739 : i32 to index
          %get3A_743 = tpu.vector_load %arg6[%get3A_741, %get3A_742] {strides = array<i32>} : memref<2x2048xi32, #tpu.memory_space<vmem>>, vector<16xi32>,
          %gather3A_744 = tpu.vector_load_idx %arg5[%get3A_743] : memref<100000xf32, #tpu.memory_space<vmem>>[vector<16xi32>], vector<16xf32>,
          %mul3A_745 = arith.constant 16 : i32
          %mul3A_746 = arith.muli %add3A_737, %mul3A_745 : i32
          %swap3A_747 = arith.constant 0 : i32
          %swap3A_748 = arith.index_cast %swap3A_747 : i32 to index
          %swap3A_749 = arith.index_cast %mul3A_746 : i32 to index
          %swap3A_750 = tpu.vector_load %arg7[%swap3A_748, %swap3A_749] {strides = array<i32>} : memref<2x2048xf32, #tpu.memory_space<vmem>>, vector<16xf32>,
          tpu.vector_store %arg7[%swap3A_748, %swap3A_749], %gather3A_744 {strides = array<i32>} : memref<2x2048xf32, #tpu.memory_space<vmem>>, vector<16xf32>,
          %scan3A_751 = arith.constant 26 : i32
          %scan3A_752 = arith.addi %scan3A_261, %scan3A_751 : i32
          %mul3A_753 = arith.constant 1 : i32
          %mul3A_754 = arith.muli %scan3A_752, %mul3A_753 : i32
          %add3A_755 = arith.constant 0 : i32
          %add3A_756 = arith.addi %add3A_755, %mul3A_754 : i32
          %mul3A_757 = arith.constant 16 : i32
          %mul3A_758 = arith.muli %add3A_756, %mul3A_757 : i32
          %get3A_759 = arith.constant 0 : i32
          %get3A_760 = arith.index_cast %get3A_759 : i32 to index
          %get3A_761 = arith.index_cast %mul3A_758 : i32 to index
          %get3A_762 = tpu.vector_load %arg6[%get3A_760, %get3A_761] {strides = array<i32>} : memref<2x2048xi32, #tpu.memory_space<vmem>>, vector<16xi32>,
          %gather3A_763 = tpu.vector_load_idx %arg5[%get3A_762] : memref<100000xf32, #tpu.memory_space<vmem>>[vector<16xi32>], vector<16xf32>,
          %mul3A_764 = arith.constant 16 : i32
          %mul3A_765 = arith.muli %add3A_756, %mul3A_764 : i32
          %swap3A_766 = arith.constant 0 : i32
          %swap3A_767 = arith.index_cast %swap3A_766 : i32 to index
          %swap3A_768 = arith.index_cast %mul3A_765 : i32 to index
          %swap3A_769 = tpu.vector_load %arg7[%swap3A_767, %swap3A_768] {strides = array<i32>} : memref<2x2048xf32, #tpu.memory_space<vmem>>, vector<16xf32>,
          tpu.vector_store %arg7[%swap3A_767, %swap3A_768], %gather3A_763 {strides = array<i32>} : memref<2x2048xf32, #tpu.memory_space<vmem>>, vector<16xf32>,
          %scan3A_770 = arith.constant 27 : i32
          %scan3A_771 = arith.addi %scan3A_261, %scan3A_770 : i32
          %mul3A_772 = arith.constant 1 : i32
          %mul3A_773 = arith.muli %scan3A_771, %mul3A_772 : i32
          %add3A_774 = arith.constant 0 : i32
          %add3A_775 = arith.addi %add3A_774, %mul3A_773 : i32
          %mul3A_776 = arith.constant 16 : i32
          %mul3A_777 = arith.muli %add3A_775, %mul3A_776 : i32
          %get3A_778 = arith.constant 0 : i32
          %get3A_779 = arith.index_cast %get3A_778 : i32 to index
          %get3A_780 = arith.index_cast %mul3A_777 : i32 to index
          %get3A_781 = tpu.vector_load %arg6[%get3A_779, %get3A_780] {strides = array<i32>} : memref<2x2048xi32, #tpu.memory_space<vmem>>, vector<16xi32>,
          %gather3A_782 = tpu.vector_load_idx %arg5[%get3A_781] : memref<100000xf32, #tpu.memory_space<vmem>>[vector<16xi32>], vector<16xf32>,
          %mul3A_783 = arith.constant 16 : i32
          %mul3A_784 = arith.muli %add3A_775, %mul3A_783 : i32
          %swap3A_785 = arith.constant 0 : i32
          %swap3A_786 = arith.index_cast %swap3A_785 : i32 to index
          %swap3A_787 = arith.index_cast %mul3A_784 : i32 to index
          %swap3A_788 = tpu.vector_load %arg7[%swap3A_786, %swap3A_787] {strides = array<i32>} : memref<2x2048xf32, #tpu.memory_space<vmem>>, vector<16xf32>,
          tpu.vector_store %arg7[%swap3A_786, %swap3A_787], %gather3A_782 {strides = array<i32>} : memref<2x2048xf32, #tpu.memory_space<vmem>>, vector<16xf32>,
          %scan3A_789 = arith.constant 28 : i32
          %scan3A_790 = arith.addi %scan3A_261, %scan3A_789 : i32
          %mul3A_791 = arith.constant 1 : i32
          %mul3A_792 = arith.muli %scan3A_790, %mul3A_791 : i32
          %add3A_793 = arith.constant 0 : i32
          %add3A_794 = arith.addi %add3A_793, %mul3A_792 : i32
          %mul3A_795 = arith.constant 16 : i32
          %mul3A_796 = arith.muli %add3A_794, %mul3A_795 : i32
          %get3A_797 = arith.constant 0 : i32
          %get3A_798 = arith.index_cast %get3A_797 : i32 to index
          %get3A_799 = arith.index_cast %mul3A_796 : i32 to index
          %get3A_800 = tpu.vector_load %arg6[%get3A_798, %get3A_799] {strides = array<i32>} : memref<2x2048xi32, #tpu.memory_space<vmem>>, vector<16xi32>,
          %gather3A_801 = tpu.vector_load_idx %arg5[%get3A_800] : memref<100000xf32, #tpu.memory_space<vmem>>[vector<16xi32>], vector<16xf32>,
          %mul3A_802 = arith.constant 16 : i32
          %mul3A_803 = arith.muli %add3A_794, %mul3A_802 : i32
          %swap3A_804 = arith.constant 0 : i32
          %swap3A_805 = arith.index_cast %swap3A_804 : i32 to index
          %swap3A_806 = arith.index_cast %mul3A_803 : i32 to index
          %swap3A_807 = tpu.vector_load %arg7[%swap3A_805, %swap3A_806] {strides = array<i32>} : memref<2x2048xf32, #tpu.memory_space<vmem>>, vector<16xf32>,
          tpu.vector_store %arg7[%swap3A_805, %swap3A_806], %gather3A_801 {strides = array<i32>} : memref<2x2048xf32, #tpu.memory_space<vmem>>, vector<16xf32>,
          %scan3A_808 = arith.constant 29 : i32
          %scan3A_809 = arith.addi %scan3A_261, %scan3A_808 : i32
          %mul3A_810 = arith.constant 1 : i32
          %mul3A_811 = arith.muli %scan3A_809, %mul3A_810 : i32
          %add3A_812 = arith.constant 0 : i32
          %add3A_813 = arith.addi %add3A_812, %mul3A_811 : i32
          %mul3A_814 = arith.constant 16 : i32
          %mul3A_815 = arith.muli %add3A_813, %mul3A_814 : i32
          %get3A_816 = arith.constant 0 : i32
          %get3A_817 = arith.index_cast %get3A_816 : i32 to index
          %get3A_818 = arith.index_cast %mul3A_815 : i32 to index
          %get3A_819 = tpu.vector_load %arg6[%get3A_817, %get3A_818] {strides = array<i32>} : memref<2x2048xi32, #tpu.memory_space<vmem>>, vector<16xi32>,
          %gather3A_820 = tpu.vector_load_idx %arg5[%get3A_819] : memref<100000xf32, #tpu.memory_space<vmem>>[vector<16xi32>], vector<16xf32>,
          %mul3A_821 = arith.constant 16 : i32
          %mul3A_822 = arith.muli %add3A_813, %mul3A_821 : i32
          %swap3A_823 = arith.constant 0 : i32
          %swap3A_824 = arith.index_cast %swap3A_823 : i32 to index
          %swap3A_825 = arith.index_cast %mul3A_822 : i32 to index
          %swap3A_826 = tpu.vector_load %arg7[%swap3A_824, %swap3A_825] {strides = array<i32>} : memref<2x2048xf32, #tpu.memory_space<vmem>>, vector<16xf32>,
          tpu.vector_store %arg7[%swap3A_824, %swap3A_825], %gather3A_820 {strides = array<i32>} : memref<2x2048xf32, #tpu.memory_space<vmem>>, vector<16xf32>,
          %scan3A_827 = arith.constant 30 : i32
          %scan3A_828 = arith.addi %scan3A_261, %scan3A_827 : i32
          %mul3A_829 = arith.constant 1 : i32
          %mul3A_830 = arith.muli %scan3A_828, %mul3A_829 : i32
          %add3A_831 = arith.constant 0 : i32
          %add3A_832 = arith.addi %add3A_831, %mul3A_830 : i32
          %mul3A_833 = arith.constant 16 : i32
          %mul3A_834 = arith.muli %add3A_832, %mul3A_833 : i32
          %get3A_835 = arith.constant 0 : i32
          %get3A_836 = arith.index_cast %get3A_835 : i32 to index
          %get3A_837 = arith.index_cast %mul3A_834 : i32 to index
          %get3A_838 = tpu.vector_load %arg6[%get3A_836, %get3A_837] {strides = array<i32>} : memref<2x2048xi32, #tpu.memory_space<vmem>>, vector<16xi32>,
          %gather3A_839 = tpu.vector_load_idx %arg5[%get3A_838] : memref<100000xf32, #tpu.memory_space<vmem>>[vector<16xi32>], vector<16xf32>,
          %mul3A_840 = arith.constant 16 : i32
          %mul3A_841 = arith.muli %add3A_832, %mul3A_840 : i32
          %swap3A_842 = arith.constant 0 : i32
          %swap3A_843 = arith.index_cast %swap3A_842 : i32 to index
          %swap3A_844 = arith.index_cast %mul3A_841 : i32 to index
          %swap3A_845 = tpu.vector_load %arg7[%swap3A_843, %swap3A_844] {strides = array<i32>} : memref<2x2048xf32, #tpu.memory_space<vmem>>, vector<16xf32>,
          tpu.vector_store %arg7[%swap3A_843, %swap3A_844], %gather3A_839 {strides = array<i32>} : memref<2x2048xf32, #tpu.memory_space<vmem>>, vector<16xf32>,
          %scan3A_846 = arith.constant 31 : i32
          %scan3A_847 = arith.addi %scan3A_261, %scan3A_846 : i32
          %mul3A_848 = arith.constant 1 : i32
          %mul3A_849 = arith.muli %scan3A_847, %mul3A_848 : i32
          %add3A_850 = arith.constant 0 : i32
          %add3A_851 = arith.addi %add3A_850, %mul3A_849 : i32
          %mul3A_852 = arith.constant 16 : i32
          %mul3A_853 = arith.muli %add3A_851, %mul3A_852 : i32
          %get3A_854 = arith.constant 0 : i32
          %get3A_855 = arith.index_cast %get3A_854 : i32 to index
          %get3A_856 = arith.index_cast %mul3A_853 : i32 to index
          %get3A_857 = tpu.vector_load %arg6[%get3A_855, %get3A_856] {strides = array<i32>} : memref<2x2048xi32, #tpu.memory_space<vmem>>, vector<16xi32>,
          %gather3A_858 = tpu.vector_load_idx %arg5[%get3A_857] : memref<100000xf32, #tpu.memory_space<vmem>>[vector<16xi32>], vector<16xf32>,
          %mul3A_859 = arith.constant 16 : i32
          %mul3A_860 = arith.muli %add3A_851, %mul3A_859 : i32
          %swap3A_861 = arith.constant 0 : i32
          %swap3A_862 = arith.index_cast %swap3A_861 : i32 to index
          %swap3A_863 = arith.index_cast %mul3A_860 : i32 to index
          %swap3A_864 = tpu.vector_load %arg7[%swap3A_862, %swap3A_863] {strides = array<i32>} : memref<2x2048xf32, #tpu.memory_space<vmem>>, vector<16xf32>,
          tpu.vector_store %arg7[%swap3A_862, %swap3A_863], %gather3A_858 {strides = array<i32>} : memref<2x2048xf32, #tpu.memory_space<vmem>>, vector<16xf32>,
        }
        %scan3A_138 = arith.constant 128 : i32
        %eq3A_139 = arith.constant 7 : i32
        %eq3A_140 = arith.cmpi eq, %add3A_77, %eq3A_139 : i32
        %add3A_141 = arith.constant 1 : i32
        %add3A_142 = arith.addi %add3A_58, %add3A_141 : i32
        %lt3A_143 = arith.constant 26 : i32
        %lt3A_144 = arith.cmpi slt, %add3A_142, %lt3A_143 : i32
        %and3A_145 = arith.andi %eq3A_140, %lt3A_144 : i1
        %convert_element_type3A_146 = arith.extui %and3A_145 : i1 to i32
        %cond3A_147 = arith.constant 0 : i32
        %cond3A_148 = arith.cmpi ne, %convert_element_type3A_146, %cond3A_147 : i32
        scf.if %cond3A_148 {
          %add3A_261 = arith.constant 1 : i32
          %add3A_262 = arith.addi %add3A_58, %add3A_261 : i32
          %dma_start3A_263 = arith.constant 0 : i32
          %dma_start3A_264 = tpu.memref_slice %arg3[%add3A_262, %add3A, %dma_start3A_263] : memref<26x32x100000xf32, #tpu.memory_space<hbm>> -> memref<1x1x100000xf32, #tpu.memory_space<hbm>>
          %dma_start3A_265 = tpu.memref_squeeze %dma_start3A_264 : memref<1x1x100000xf32, #tpu.memory_space<hbm>> -> memref<100000xf32, #tpu.memory_space<hbm>>
          %dma_start3A_266 = arith.constant 0 : i32
          %dma_start3A_267 = tpu.memref_slice %arg3[%add3A_262, %add3A, %dma_start3A_266] : memref<26x32x100000xf32, #tpu.memory_space<hbm>> -> memref<1x1x100000xf32, #tpu.memory_space<hbm>>
          %dma_start3A_268 = tpu.memref_squeeze %dma_start3A_267 : memref<1x1x100000xf32, #tpu.memory_space<hbm>> -> memref<100000xf32, #tpu.memory_space<hbm>>
          tpu.enqueue_dma source(%dma_start3A_268 : memref<100000xf32, #tpu.memory_space<hbm>>) target(%arg5 : memref<100000xf32, #tpu.memory_space<vmem>>) target_semaphore(%arg8 : memref<!tpu.dma_semaphore, #tpu.memory_space<semaphore_mem>>)
        } else {
        }
        %mul3A_149 = arith.constant 2048 : i32
        %mul3A_150 = arith.muli %add3A_77, %mul3A_149 : i32
        %dma_start3A_151 = arith.constant 0 : i32
        %dma_start3A_152 = arith.constant 0 : i32
        %dma_start3A_153 = tpu.memref_slice %arg7[%dma_start3A_151, %dma_start3A_152] : memref<2x2048xf32, #tpu.memory_space<vmem>> -> memref<1x2048xf32, #tpu.memory_space<vmem>>
        %dma_start3A_154 = tpu.memref_squeeze %dma_start3A_153 : memref<1x2048xf32, #tpu.memory_space<vmem>> -> memref<2048xf32, #tpu.memory_space<vmem>>
        %dma_start3A_155 = tpu.memref_slice %arg4[%add3A_58, %add3A, %mul3A_150] : memref<26x32x16384xf32, #tpu.memory_space<hbm>> -> memref<1x1x2048xf32, #tpu.memory_space<hbm>>
        %dma_start3A_156 = tpu.memref_squeeze %dma_start3A_155 : memref<1x1x2048xf32, #tpu.memory_space<hbm>> -> memref<2048xf32, #tpu.memory_space<hbm>>
        %dma_start3A_157 = tpu.memref_slice %arg4[%add3A_58, %add3A, %mul3A_150] : memref<26x32x16384xf32, #tpu.memory_space<hbm>> -> memref<1x1x2048xf32, #tpu.memory_space<hbm>>
        %dma_start3A_158 = tpu.memref_squeeze %dma_start3A_157 : memref<1x1x2048xf32, #tpu.memory_space<hbm>> -> memref<2048xf32, #tpu.memory_space<hbm>>
        %dma_start3A_159 = arith.constant 0 : i32
        %dma_start3A_160 = tpu.memref_slice %arg7[%dma_start3A_151, %dma_start3A_159] : memref<2x2048xf32, #tpu.memory_space<vmem>> -> memref<1x2048xf32, #tpu.memory_space<vmem>>
        %dma_start3A_161 = tpu.memref_squeeze %dma_start3A_160 : memref<1x2048xf32, #tpu.memory_space<vmem>> -> memref<2048xf32, #tpu.memory_space<vmem>>
        tpu.enqueue_dma source(%dma_start3A_161 : memref<2048xf32, #tpu.memory_space<vmem>>) target(%dma_start3A_158 : memref<2048xf32, #tpu.memory_space<hbm>>) target_semaphore(%arg10 : memref<!tpu.dma_semaphore, #tpu.memory_space<semaphore_mem>>)
        %add3A_162 = arith.constant 1 : i32
        %add3A_163 = arith.addi %add3A_75, %add3A_162 : i32
        %mul3A_164 = arith.constant 8 : i32
        %mul3A_165 = arith.muli %add3A_58, %mul3A_164 : i32
        %add3A_166 = arith.addi %mul3A_165, %add3A_163 : i32
        %dma_wait3A_167 = arith.constant 0 : i32
        %dma_wait3A_168 = arith.constant 1 : i32
        %dma_wait3A_169 = arith.constant 0 : i32
        %dma_wait3A_170 = tpu.memref_slice %arg6[%dma_wait3A_168, %dma_wait3A_169] : memref<2x2048xi32, #tpu.memory_space<vmem>> -> memref<1x2048xi32, #tpu.memory_space<vmem>>
        %dma_wait3A_171 = tpu.memref_squeeze %dma_wait3A_170 : memref<1x2048xi32, #tpu.memory_space<vmem>> -> memref<2048xi32, #tpu.memory_space<vmem>>
        %dma_wait3A_172 = arith.constant 0 : i32
        %dma_wait3A_173 = tpu.memref_slice %arg2[%dma_wait3A_167, %dma_wait3A_172] : memref<26x16384xi32, #tpu.memory_space<hbm>> -> memref<1x2048xi32, #tpu.memory_space<hbm>>
        %dma_wait3A_174 = tpu.memref_squeeze %dma_wait3A_173 : memref<1x2048xi32, #tpu.memory_space<hbm>> -> memref<2048xi32, #tpu.memory_space<hbm>>
        %dma_wait3A_175 = arith.constant 0 : i32
        %dma_wait3A_176 = tpu.memref_slice %arg6[%dma_wait3A_168, %dma_wait3A_175] : memref<2x2048xi32, #tpu.memory_space<vmem>> -> memref<1x2048xi32, #tpu.memory_space<vmem>>
        %dma_wait3A_177 = tpu.memref_squeeze %dma_wait3A_176 : memref<1x2048xi32, #tpu.memory_space<vmem>> -> memref<2048xi32, #tpu.memory_space<vmem>>
        %dma_wait3A_178 = arith.constant 0 : i32
        %dma_wait3A_179 = tpu.memref_slice %arg2[%dma_wait3A_167, %dma_wait3A_178] : memref<26x16384xi32, #tpu.memory_space<hbm>> -> memref<1x2048xi32, #tpu.memory_space<hbm>>
        %dma_wait3A_180 = tpu.memref_squeeze %dma_wait3A_179 : memref<1x2048xi32, #tpu.memory_space<hbm>> -> memref<2048xi32, #tpu.memory_space<hbm>>
        tpu.wait_dma2 semaphore(%arg9 : memref<!tpu.dma_semaphore, #tpu.memory_space<semaphore_mem>>) src(%dma_wait3A_180 : memref<2048xi32, #tpu.memory_space<hbm>>) dst(%dma_wait3A_177 : memref<2048xi32, #tpu.memory_space<vmem>>)
        %add3A_181 = arith.constant 1 : i32
        %add3A_182 = arith.addi %add3A_166, %add3A_181 : i32
        %jit3A_183 = arith.constant 8 : i32
        %div3A_184 = arith.divsi %add3A_182, %jit3A_183 : i32
        %sign3A_185 = arith.constant 0 : i32
        %sign3A_186 = arith.cmpi sgt, %add3A_182, %sign3A_185 : i32
        %sign3A_187 = arith.extui %sign3A_186 : i1 to i32
        %sign3A_188 = arith.constant 0 : i32
        %sign3A_189 = arith.cmpi slt, %add3A_182, %sign3A_188 : i32
        %sign3A_190 = arith.extui %sign3A_189 : i1 to i32
        %sign3A_191 = arith.subi %sign3A_187, %sign3A_190 : i32
        %sign3A_192 = arith.constant 0 : i32
        %sign3A_193 = arith.cmpi sgt, %jit3A_183, %sign3A_192 : i32
        %sign3A_194 = arith.extui %sign3A_193 : i1 to i32
        %sign3A_195 = arith.constant 0 : i32
        %sign3A_196 = arith.cmpi slt, %jit3A_183, %sign3A_195 : i32
        %sign3A_197 = arith.extui %sign3A_196 : i1 to i32
        %sign3A_198 = arith.subi %sign3A_194, %sign3A_197 : i32
        %ne3A_199 = arith.cmpi ne, %sign3A_191, %sign3A_198 : i32
        %rem3A_200 = arith.remsi %add3A_182, %jit3A_183 : i32
        %ne3A_201 = arith.constant 0 : i32
        %ne3A_202 = arith.cmpi ne, %rem3A_200, %ne3A_201 : i32
        %and3A_203 = arith.andi %ne3A_199, %ne3A_202 : i1
        %sub3A_204 = arith.constant 1 : i32
        %sub3A_205 = arith.subi %div3A_184, %sub3A_204 : i32
        %select_n3A_206 = arith.select %and3A_203, %sub3A_205, %div3A_184 : i32
        %jit3A_207 = arith.constant 8 : i32
        %eq3A_208 = arith.constant 0 : i32
        %eq3A_209 = arith.cmpi eq, %jit3A_207, %eq3A_208 : i32
        %jit3A_210 = arith.constant 1 : i32
        %select_n3A_211 = arith.select %eq3A_209, %jit3A_210, %jit3A_207 : i32
        %rem3A_212 = arith.remsi %add3A_182, %select_n3A_211 : i32
        %ne3A_213 = arith.constant 0 : i32
        %ne3A_214 = arith.cmpi ne, %rem3A_212, %ne3A_213 : i32
        %lt3A_215 = arith.constant 0 : i32
        %lt3A_216 = arith.cmpi slt, %rem3A_212, %lt3A_215 : i32
        %lt3A_217 = arith.constant 0 : i32
        %lt3A_218 = arith.cmpi slt, %select_n3A_211, %lt3A_217 : i32
        %ne3A_219 = arith.xori %lt3A_216, %lt3A_218 : i1
        %and3A_220 = arith.andi %ne3A_219, %ne3A_214 : i1
        %add3A_221 = arith.addi %rem3A_212, %select_n3A_211 : i32
        %select_n3A_222 = arith.select %and3A_220, %add3A_221, %rem3A_212 : i32
        %lt3A_223 = arith.constant 208 : i32
        %lt3A_224 = arith.cmpi slt, %add3A_182, %lt3A_223 : i32
        %convert_element_type3A_225 = arith.extui %lt3A_224 : i1 to i32
        %cond3A_226 = arith.constant 0 : i32
        %cond3A_227 = arith.cmpi ne, %convert_element_type3A_225, %cond3A_226 : i32
        scf.if %cond3A_227 {
          %mul3A_261 = arith.constant 2048 : i32
          %mul3A_262 = arith.muli %select_n3A_222, %mul3A_261 : i32
          %dma_start3A_263 = arith.constant 0 : i32
          %dma_start3A_264 = arith.constant 0 : i32
          %dma_start3A_265 = tpu.memref_slice %arg6[%dma_start3A_263, %dma_start3A_264] : memref<2x2048xi32, #tpu.memory_space<vmem>> -> memref<1x2048xi32, #tpu.memory_space<vmem>>
          %dma_start3A_266 = tpu.memref_squeeze %dma_start3A_265 : memref<1x2048xi32, #tpu.memory_space<vmem>> -> memref<2048xi32, #tpu.memory_space<vmem>>
          %dma_start3A_267 = tpu.memref_slice %arg2[%select_n3A_206, %mul3A_262] : memref<26x16384xi32, #tpu.memory_space<hbm>> -> memref<1x2048xi32, #tpu.memory_space<hbm>>
          %dma_start3A_268 = tpu.memref_squeeze %dma_start3A_267 : memref<1x2048xi32, #tpu.memory_space<hbm>> -> memref<2048xi32, #tpu.memory_space<hbm>>
          %dma_start3A_269 = arith.constant 0 : i32
          %dma_start3A_270 = tpu.memref_slice %arg6[%dma_start3A_263, %dma_start3A_269] : memref<2x2048xi32, #tpu.memory_space<vmem>> -> memref<1x2048xi32, #tpu.memory_space<vmem>>
          %dma_start3A_271 = tpu.memref_squeeze %dma_start3A_270 : memref<1x2048xi32, #tpu.memory_space<vmem>> -> memref<2048xi32, #tpu.memory_space<vmem>>
          %dma_start3A_272 = tpu.memref_slice %arg2[%select_n3A_206, %mul3A_262] : memref<26x16384xi32, #tpu.memory_space<hbm>> -> memref<1x2048xi32, #tpu.memory_space<hbm>>
          %dma_start3A_273 = tpu.memref_squeeze %dma_start3A_272 : memref<1x2048xi32, #tpu.memory_space<hbm>> -> memref<2048xi32, #tpu.memory_space<hbm>>
          tpu.enqueue_dma source(%dma_start3A_273 : memref<2048xi32, #tpu.memory_space<hbm>>) target(%dma_start3A_271 : memref<2048xi32, #tpu.memory_space<vmem>>) target_semaphore(%arg9 : memref<!tpu.dma_semaphore, #tpu.memory_space<semaphore_mem>>)
        } else {
        }
        %ge3A_228 = arith.constant 2 : i32
        %ge3A_229 = arith.cmpi sge, %add3A_166, %ge3A_228 : i32
        %convert_element_type3A_230 = arith.extui %ge3A_229 : i1 to i32
        %cond3A_231 = arith.constant 0 : i32
        %cond3A_232 = arith.cmpi ne, %convert_element_type3A_230, %cond3A_231 : i32
        scf.if %cond3A_232 {
          %dma_wait3A_261 = arith.constant 1 : i32
          %dma_wait3A_262 = arith.constant 0 : i32
          %dma_wait3A_263 = arith.constant 0 : i32
          %dma_wait3A_264 = arith.constant 0 : i32
          %dma_wait3A_265 = tpu.memref_slice %arg7[%dma_wait3A_261, %dma_wait3A_264] : memref<2x2048xf32, #tpu.memory_space<vmem>> -> memref<1x2048xf32, #tpu.memory_space<vmem>>
          %dma_wait3A_266 = tpu.memref_squeeze %dma_wait3A_265 : memref<1x2048xf32, #tpu.memory_space<vmem>> -> memref<2048xf32, #tpu.memory_space<vmem>>
          %dma_wait3A_267 = arith.constant 0 : i32
          %dma_wait3A_268 = tpu.memref_slice %arg4[%dma_wait3A_262, %dma_wait3A_263, %dma_wait3A_267] : memref<26x32x16384xf32, #tpu.memory_space<hbm>> -> memref<1x1x2048xf32, #tpu.memory_space<hbm>>
          %dma_wait3A_269 = tpu.memref_squeeze %dma_wait3A_268 : memref<1x1x2048xf32, #tpu.memory_space<hbm>> -> memref<2048xf32, #tpu.memory_space<hbm>>
          %dma_wait3A_270 = arith.constant 0 : i32
          %dma_wait3A_271 = tpu.memref_slice %arg4[%dma_wait3A_262, %dma_wait3A_263, %dma_wait3A_270] : memref<26x32x16384xf32, #tpu.memory_space<hbm>> -> memref<1x1x2048xf32, #tpu.memory_space<hbm>>
          %dma_wait3A_272 = tpu.memref_squeeze %dma_wait3A_271 : memref<1x1x2048xf32, #tpu.memory_space<hbm>> -> memref<2048xf32, #tpu.memory_space<hbm>>
          %dma_wait3A_273 = arith.constant 0 : i32
          %dma_wait3A_274 = tpu.memref_slice %arg7[%dma_wait3A_261, %dma_wait3A_273] : memref<2x2048xf32, #tpu.memory_space<vmem>> -> memref<1x2048xf32, #tpu.memory_space<vmem>>
          %dma_wait3A_275 = tpu.memref_squeeze %dma_wait3A_274 : memref<1x2048xf32, #tpu.memory_space<vmem>> -> memref<2048xf32, #tpu.memory_space<vmem>>
          tpu.wait_dma2 semaphore(%arg10 : memref<!tpu.dma_semaphore, #tpu.memory_space<semaphore_mem>>) src(%dma_wait3A_275 : memref<2048xf32, #tpu.memory_space<vmem>>) dst(%dma_wait3A_272 : memref<2048xf32, #tpu.memory_space<hbm>>)
        } else {
        }
        %scan3A_233 = arith.constant 0 : i32
        %scan3A_234 = arith.constant 128 : i32
        %scan3A_235 = arith.addi %scan3A_233, %scan3A_234 : i32
        %scan3A_236 = arith.constant 32 : i32
        scf.for %scan3A_261 = %scan3A_233 to %scan3A_235 step %scan3A_236  : i32 {
          %mul3A_262 = arith.constant 1 : i32
          %mul3A_263 = arith.muli %scan3A_261, %mul3A_262 : i32
          %add3A_264 = arith.constant 0 : i32
          %add3A_265 = arith.addi %add3A_264, %mul3A_263 : i32
          %mul3A_266 = arith.constant 16 : i32
          %mul3A_267 = arith.muli %add3A_265, %mul3A_266 : i32
          %get3A = arith.constant 1 : i32
          %get3A_268 = arith.index_cast %get3A : i32 to index
          %get3A_269 = arith.index_cast %mul3A_267 : i32 to index
          %get3A_270 = tpu.vector_load %arg6[%get3A_268, %get3A_269] {strides = array<i32>} : memref<2x2048xi32, #tpu.memory_space<vmem>>, vector<16xi32>,
          %gather3A = tpu.vector_load_idx %arg5[%get3A_270] : memref<100000xf32, #tpu.memory_space<vmem>>[vector<16xi32>], vector<16xf32>,
          %mul3A_271 = arith.constant 16 : i32
          %mul3A_272 = arith.muli %add3A_265, %mul3A_271 : i32
          %swap3A = arith.constant 1 : i32
          %swap3A_273 = arith.index_cast %swap3A : i32 to index
          %swap3A_274 = arith.index_cast %mul3A_272 : i32 to index
          %swap3A_275 = tpu.vector_load %arg7[%swap3A_273, %swap3A_274] {strides = array<i32>} : memref<2x2048xf32, #tpu.memory_space<vmem>>, vector<16xf32>,
          tpu.vector_store %arg7[%swap3A_273, %swap3A_274], %gather3A {strides = array<i32>} : memref<2x2048xf32, #tpu.memory_space<vmem>>, vector<16xf32>,
          %scan3A_276 = arith.constant 1 : i32
          %scan3A_277 = arith.addi %scan3A_261, %scan3A_276 : i32
          %mul3A_278 = arith.constant 1 : i32
          %mul3A_279 = arith.muli %scan3A_277, %mul3A_278 : i32
          %add3A_280 = arith.constant 0 : i32
          %add3A_281 = arith.addi %add3A_280, %mul3A_279 : i32
          %mul3A_282 = arith.constant 16 : i32
          %mul3A_283 = arith.muli %add3A_281, %mul3A_282 : i32
          %get3A_284 = arith.constant 1 : i32
          %get3A_285 = arith.index_cast %get3A_284 : i32 to index
          %get3A_286 = arith.index_cast %mul3A_283 : i32 to index
          %get3A_287 = tpu.vector_load %arg6[%get3A_285, %get3A_286] {strides = array<i32>} : memref<2x2048xi32, #tpu.memory_space<vmem>>, vector<16xi32>,
          %gather3A_288 = tpu.vector_load_idx %arg5[%get3A_287] : memref<100000xf32, #tpu.memory_space<vmem>>[vector<16xi32>], vector<16xf32>,
          %mul3A_289 = arith.constant 16 : i32
          %mul3A_290 = arith.muli %add3A_281, %mul3A_289 : i32
          %swap3A_291 = arith.constant 1 : i32
          %swap3A_292 = arith.index_cast %swap3A_291 : i32 to index
          %swap3A_293 = arith.index_cast %mul3A_290 : i32 to index
          %swap3A_294 = tpu.vector_load %arg7[%swap3A_292, %swap3A_293] {strides = array<i32>} : memref<2x2048xf32, #tpu.memory_space<vmem>>, vector<16xf32>,
          tpu.vector_store %arg7[%swap3A_292, %swap3A_293], %gather3A_288 {strides = array<i32>} : memref<2x2048xf32, #tpu.memory_space<vmem>>, vector<16xf32>,
          %scan3A_295 = arith.constant 2 : i32
          %scan3A_296 = arith.addi %scan3A_261, %scan3A_295 : i32
          %mul3A_297 = arith.constant 1 : i32
          %mul3A_298 = arith.muli %scan3A_296, %mul3A_297 : i32
          %add3A_299 = arith.constant 0 : i32
          %add3A_300 = arith.addi %add3A_299, %mul3A_298 : i32
          %mul3A_301 = arith.constant 16 : i32
          %mul3A_302 = arith.muli %add3A_300, %mul3A_301 : i32
          %get3A_303 = arith.constant 1 : i32
          %get3A_304 = arith.index_cast %get3A_303 : i32 to index
          %get3A_305 = arith.index_cast %mul3A_302 : i32 to index
          %get3A_306 = tpu.vector_load %arg6[%get3A_304, %get3A_305] {strides = array<i32>} : memref<2x2048xi32, #tpu.memory_space<vmem>>, vector<16xi32>,
          %gather3A_307 = tpu.vector_load_idx %arg5[%get3A_306] : memref<100000xf32, #tpu.memory_space<vmem>>[vector<16xi32>], vector<16xf32>,
          %mul3A_308 = arith.constant 16 : i32
          %mul3A_309 = arith.muli %add3A_300, %mul3A_308 : i32
          %swap3A_310 = arith.constant 1 : i32
          %swap3A_311 = arith.index_cast %swap3A_310 : i32 to index
          %swap3A_312 = arith.index_cast %mul3A_309 : i32 to index
          %swap3A_313 = tpu.vector_load %arg7[%swap3A_311, %swap3A_312] {strides = array<i32>} : memref<2x2048xf32, #tpu.memory_space<vmem>>, vector<16xf32>,
          tpu.vector_store %arg7[%swap3A_311, %swap3A_312], %gather3A_307 {strides = array<i32>} : memref<2x2048xf32, #tpu.memory_space<vmem>>, vector<16xf32>,
          %scan3A_314 = arith.constant 3 : i32
          %scan3A_315 = arith.addi %scan3A_261, %scan3A_314 : i32
          %mul3A_316 = arith.constant 1 : i32
          %mul3A_317 = arith.muli %scan3A_315, %mul3A_316 : i32
          %add3A_318 = arith.constant 0 : i32
          %add3A_319 = arith.addi %add3A_318, %mul3A_317 : i32
          %mul3A_320 = arith.constant 16 : i32
          %mul3A_321 = arith.muli %add3A_319, %mul3A_320 : i32
          %get3A_322 = arith.constant 1 : i32
          %get3A_323 = arith.index_cast %get3A_322 : i32 to index
          %get3A_324 = arith.index_cast %mul3A_321 : i32 to index
          %get3A_325 = tpu.vector_load %arg6[%get3A_323, %get3A_324] {strides = array<i32>} : memref<2x2048xi32, #tpu.memory_space<vmem>>, vector<16xi32>,
          %gather3A_326 = tpu.vector_load_idx %arg5[%get3A_325] : memref<100000xf32, #tpu.memory_space<vmem>>[vector<16xi32>], vector<16xf32>,
          %mul3A_327 = arith.constant 16 : i32
          %mul3A_328 = arith.muli %add3A_319, %mul3A_327 : i32
          %swap3A_329 = arith.constant 1 : i32
          %swap3A_330 = arith.index_cast %swap3A_329 : i32 to index
          %swap3A_331 = arith.index_cast %mul3A_328 : i32 to index
          %swap3A_332 = tpu.vector_load %arg7[%swap3A_330, %swap3A_331] {strides = array<i32>} : memref<2x2048xf32, #tpu.memory_space<vmem>>, vector<16xf32>,
          tpu.vector_store %arg7[%swap3A_330, %swap3A_331], %gather3A_326 {strides = array<i32>} : memref<2x2048xf32, #tpu.memory_space<vmem>>, vector<16xf32>,
          %scan3A_333 = arith.constant 4 : i32
          %scan3A_334 = arith.addi %scan3A_261, %scan3A_333 : i32
          %mul3A_335 = arith.constant 1 : i32
          %mul3A_336 = arith.muli %scan3A_334, %mul3A_335 : i32
          %add3A_337 = arith.constant 0 : i32
          %add3A_338 = arith.addi %add3A_337, %mul3A_336 : i32
          %mul3A_339 = arith.constant 16 : i32
          %mul3A_340 = arith.muli %add3A_338, %mul3A_339 : i32
          %get3A_341 = arith.constant 1 : i32
          %get3A_342 = arith.index_cast %get3A_341 : i32 to index
          %get3A_343 = arith.index_cast %mul3A_340 : i32 to index
          %get3A_344 = tpu.vector_load %arg6[%get3A_342, %get3A_343] {strides = array<i32>} : memref<2x2048xi32, #tpu.memory_space<vmem>>, vector<16xi32>,
          %gather3A_345 = tpu.vector_load_idx %arg5[%get3A_344] : memref<100000xf32, #tpu.memory_space<vmem>>[vector<16xi32>], vector<16xf32>,
          %mul3A_346 = arith.constant 16 : i32
          %mul3A_347 = arith.muli %add3A_338, %mul3A_346 : i32
          %swap3A_348 = arith.constant 1 : i32
          %swap3A_349 = arith.index_cast %swap3A_348 : i32 to index
          %swap3A_350 = arith.index_cast %mul3A_347 : i32 to index
          %swap3A_351 = tpu.vector_load %arg7[%swap3A_349, %swap3A_350] {strides = array<i32>} : memref<2x2048xf32, #tpu.memory_space<vmem>>, vector<16xf32>,
          tpu.vector_store %arg7[%swap3A_349, %swap3A_350], %gather3A_345 {strides = array<i32>} : memref<2x2048xf32, #tpu.memory_space<vmem>>, vector<16xf32>,
          %scan3A_352 = arith.constant 5 : i32
          %scan3A_353 = arith.addi %scan3A_261, %scan3A_352 : i32
          %mul3A_354 = arith.constant 1 : i32
          %mul3A_355 = arith.muli %scan3A_353, %mul3A_354 : i32
          %add3A_356 = arith.constant 0 : i32
          %add3A_357 = arith.addi %add3A_356, %mul3A_355 : i32
          %mul3A_358 = arith.constant 16 : i32
          %mul3A_359 = arith.muli %add3A_357, %mul3A_358 : i32
          %get3A_360 = arith.constant 1 : i32
          %get3A_361 = arith.index_cast %get3A_360 : i32 to index
          %get3A_362 = arith.index_cast %mul3A_359 : i32 to index
          %get3A_363 = tpu.vector_load %arg6[%get3A_361, %get3A_362] {strides = array<i32>} : memref<2x2048xi32, #tpu.memory_space<vmem>>, vector<16xi32>,
          %gather3A_364 = tpu.vector_load_idx %arg5[%get3A_363] : memref<100000xf32, #tpu.memory_space<vmem>>[vector<16xi32>], vector<16xf32>,
          %mul3A_365 = arith.constant 16 : i32
          %mul3A_366 = arith.muli %add3A_357, %mul3A_365 : i32
          %swap3A_367 = arith.constant 1 : i32
          %swap3A_368 = arith.index_cast %swap3A_367 : i32 to index
          %swap3A_369 = arith.index_cast %mul3A_366 : i32 to index
          %swap3A_370 = tpu.vector_load %arg7[%swap3A_368, %swap3A_369] {strides = array<i32>} : memref<2x2048xf32, #tpu.memory_space<vmem>>, vector<16xf32>,
          tpu.vector_store %arg7[%swap3A_368, %swap3A_369], %gather3A_364 {strides = array<i32>} : memref<2x2048xf32, #tpu.memory_space<vmem>>, vector<16xf32>,
          %scan3A_371 = arith.constant 6 : i32
          %scan3A_372 = arith.addi %scan3A_261, %scan3A_371 : i32
          %mul3A_373 = arith.constant 1 : i32
          %mul3A_374 = arith.muli %scan3A_372, %mul3A_373 : i32
          %add3A_375 = arith.constant 0 : i32
          %add3A_376 = arith.addi %add3A_375, %mul3A_374 : i32
          %mul3A_377 = arith.constant 16 : i32
          %mul3A_378 = arith.muli %add3A_376, %mul3A_377 : i32
          %get3A_379 = arith.constant 1 : i32
          %get3A_380 = arith.index_cast %get3A_379 : i32 to index
          %get3A_381 = arith.index_cast %mul3A_378 : i32 to index
          %get3A_382 = tpu.vector_load %arg6[%get3A_380, %get3A_381] {strides = array<i32>} : memref<2x2048xi32, #tpu.memory_space<vmem>>, vector<16xi32>,
          %gather3A_383 = tpu.vector_load_idx %arg5[%get3A_382] : memref<100000xf32, #tpu.memory_space<vmem>>[vector<16xi32>], vector<16xf32>,
          %mul3A_384 = arith.constant 16 : i32
          %mul3A_385 = arith.muli %add3A_376, %mul3A_384 : i32
          %swap3A_386 = arith.constant 1 : i32
          %swap3A_387 = arith.index_cast %swap3A_386 : i32 to index
          %swap3A_388 = arith.index_cast %mul3A_385 : i32 to index
          %swap3A_389 = tpu.vector_load %arg7[%swap3A_387, %swap3A_388] {strides = array<i32>} : memref<2x2048xf32, #tpu.memory_space<vmem>>, vector<16xf32>,
          tpu.vector_store %arg7[%swap3A_387, %swap3A_388], %gather3A_383 {strides = array<i32>} : memref<2x2048xf32, #tpu.memory_space<vmem>>, vector<16xf32>,
          %scan3A_390 = arith.constant 7 : i32
          %scan3A_391 = arith.addi %scan3A_261, %scan3A_390 : i32
          %mul3A_392 = arith.constant 1 : i32
          %mul3A_393 = arith.muli %scan3A_391, %mul3A_392 : i32
          %add3A_394 = arith.constant 0 : i32
          %add3A_395 = arith.addi %add3A_394, %mul3A_393 : i32
          %mul3A_396 = arith.constant 16 : i32
          %mul3A_397 = arith.muli %add3A_395, %mul3A_396 : i32
          %get3A_398 = arith.constant 1 : i32
          %get3A_399 = arith.index_cast %get3A_398 : i32 to index
          %get3A_400 = arith.index_cast %mul3A_397 : i32 to index
          %get3A_401 = tpu.vector_load %arg6[%get3A_399, %get3A_400] {strides = array<i32>} : memref<2x2048xi32, #tpu.memory_space<vmem>>, vector<16xi32>,
          %gather3A_402 = tpu.vector_load_idx %arg5[%get3A_401] : memref<100000xf32, #tpu.memory_space<vmem>>[vector<16xi32>], vector<16xf32>,
          %mul3A_403 = arith.constant 16 : i32
          %mul3A_404 = arith.muli %add3A_395, %mul3A_403 : i32
          %swap3A_405 = arith.constant 1 : i32
          %swap3A_406 = arith.index_cast %swap3A_405 : i32 to index
          %swap3A_407 = arith.index_cast %mul3A_404 : i32 to index
          %swap3A_408 = tpu.vector_load %arg7[%swap3A_406, %swap3A_407] {strides = array<i32>} : memref<2x2048xf32, #tpu.memory_space<vmem>>, vector<16xf32>,
          tpu.vector_store %arg7[%swap3A_406, %swap3A_407], %gather3A_402 {strides = array<i32>} : memref<2x2048xf32, #tpu.memory_space<vmem>>, vector<16xf32>,
          %scan3A_409 = arith.constant 8 : i32
          %scan3A_410 = arith.addi %scan3A_261, %scan3A_409 : i32
          %mul3A_411 = arith.constant 1 : i32
          %mul3A_412 = arith.muli %scan3A_410, %mul3A_411 : i32
          %add3A_413 = arith.constant 0 : i32
          %add3A_414 = arith.addi %add3A_413, %mul3A_412 : i32
          %mul3A_415 = arith.constant 16 : i32
          %mul3A_416 = arith.muli %add3A_414, %mul3A_415 : i32
          %get3A_417 = arith.constant 1 : i32
          %get3A_418 = arith.index_cast %get3A_417 : i32 to index
          %get3A_419 = arith.index_cast %mul3A_416 : i32 to index
          %get3A_420 = tpu.vector_load %arg6[%get3A_418, %get3A_419] {strides = array<i32>} : memref<2x2048xi32, #tpu.memory_space<vmem>>, vector<16xi32>,
          %gather3A_421 = tpu.vector_load_idx %arg5[%get3A_420] : memref<100000xf32, #tpu.memory_space<vmem>>[vector<16xi32>], vector<16xf32>,
          %mul3A_422 = arith.constant 16 : i32
          %mul3A_423 = arith.muli %add3A_414, %mul3A_422 : i32
          %swap3A_424 = arith.constant 1 : i32
          %swap3A_425 = arith.index_cast %swap3A_424 : i32 to index
          %swap3A_426 = arith.index_cast %mul3A_423 : i32 to index
          %swap3A_427 = tpu.vector_load %arg7[%swap3A_425, %swap3A_426] {strides = array<i32>} : memref<2x2048xf32, #tpu.memory_space<vmem>>, vector<16xf32>,
          tpu.vector_store %arg7[%swap3A_425, %swap3A_426], %gather3A_421 {strides = array<i32>} : memref<2x2048xf32, #tpu.memory_space<vmem>>, vector<16xf32>,
          %scan3A_428 = arith.constant 9 : i32
          %scan3A_429 = arith.addi %scan3A_261, %scan3A_428 : i32
          %mul3A_430 = arith.constant 1 : i32
          %mul3A_431 = arith.muli %scan3A_429, %mul3A_430 : i32
          %add3A_432 = arith.constant 0 : i32
          %add3A_433 = arith.addi %add3A_432, %mul3A_431 : i32
          %mul3A_434 = arith.constant 16 : i32
          %mul3A_435 = arith.muli %add3A_433, %mul3A_434 : i32
          %get3A_436 = arith.constant 1 : i32
          %get3A_437 = arith.index_cast %get3A_436 : i32 to index
          %get3A_438 = arith.index_cast %mul3A_435 : i32 to index
          %get3A_439 = tpu.vector_load %arg6[%get3A_437, %get3A_438] {strides = array<i32>} : memref<2x2048xi32, #tpu.memory_space<vmem>>, vector<16xi32>,
          %gather3A_440 = tpu.vector_load_idx %arg5[%get3A_439] : memref<100000xf32, #tpu.memory_space<vmem>>[vector<16xi32>], vector<16xf32>,
          %mul3A_441 = arith.constant 16 : i32
          %mul3A_442 = arith.muli %add3A_433, %mul3A_441 : i32
          %swap3A_443 = arith.constant 1 : i32
          %swap3A_444 = arith.index_cast %swap3A_443 : i32 to index
          %swap3A_445 = arith.index_cast %mul3A_442 : i32 to index
          %swap3A_446 = tpu.vector_load %arg7[%swap3A_444, %swap3A_445] {strides = array<i32>} : memref<2x2048xf32, #tpu.memory_space<vmem>>, vector<16xf32>,
          tpu.vector_store %arg7[%swap3A_444, %swap3A_445], %gather3A_440 {strides = array<i32>} : memref<2x2048xf32, #tpu.memory_space<vmem>>, vector<16xf32>,
          %scan3A_447 = arith.constant 10 : i32
          %scan3A_448 = arith.addi %scan3A_261, %scan3A_447 : i32
          %mul3A_449 = arith.constant 1 : i32
          %mul3A_450 = arith.muli %scan3A_448, %mul3A_449 : i32
          %add3A_451 = arith.constant 0 : i32
          %add3A_452 = arith.addi %add3A_451, %mul3A_450 : i32
          %mul3A_453 = arith.constant 16 : i32
          %mul3A_454 = arith.muli %add3A_452, %mul3A_453 : i32
          %get3A_455 = arith.constant 1 : i32
          %get3A_456 = arith.index_cast %get3A_455 : i32 to index
          %get3A_457 = arith.index_cast %mul3A_454 : i32 to index
          %get3A_458 = tpu.vector_load %arg6[%get3A_456, %get3A_457] {strides = array<i32>} : memref<2x2048xi32, #tpu.memory_space<vmem>>, vector<16xi32>,
          %gather3A_459 = tpu.vector_load_idx %arg5[%get3A_458] : memref<100000xf32, #tpu.memory_space<vmem>>[vector<16xi32>], vector<16xf32>,
          %mul3A_460 = arith.constant 16 : i32
          %mul3A_461 = arith.muli %add3A_452, %mul3A_460 : i32
          %swap3A_462 = arith.constant 1 : i32
          %swap3A_463 = arith.index_cast %swap3A_462 : i32 to index
          %swap3A_464 = arith.index_cast %mul3A_461 : i32 to index
          %swap3A_465 = tpu.vector_load %arg7[%swap3A_463, %swap3A_464] {strides = array<i32>} : memref<2x2048xf32, #tpu.memory_space<vmem>>, vector<16xf32>,
          tpu.vector_store %arg7[%swap3A_463, %swap3A_464], %gather3A_459 {strides = array<i32>} : memref<2x2048xf32, #tpu.memory_space<vmem>>, vector<16xf32>,
          %scan3A_466 = arith.constant 11 : i32
          %scan3A_467 = arith.addi %scan3A_261, %scan3A_466 : i32
          %mul3A_468 = arith.constant 1 : i32
          %mul3A_469 = arith.muli %scan3A_467, %mul3A_468 : i32
          %add3A_470 = arith.constant 0 : i32
          %add3A_471 = arith.addi %add3A_470, %mul3A_469 : i32
          %mul3A_472 = arith.constant 16 : i32
          %mul3A_473 = arith.muli %add3A_471, %mul3A_472 : i32
          %get3A_474 = arith.constant 1 : i32
          %get3A_475 = arith.index_cast %get3A_474 : i32 to index
          %get3A_476 = arith.index_cast %mul3A_473 : i32 to index
          %get3A_477 = tpu.vector_load %arg6[%get3A_475, %get3A_476] {strides = array<i32>} : memref<2x2048xi32, #tpu.memory_space<vmem>>, vector<16xi32>,
          %gather3A_478 = tpu.vector_load_idx %arg5[%get3A_477] : memref<100000xf32, #tpu.memory_space<vmem>>[vector<16xi32>], vector<16xf32>,
          %mul3A_479 = arith.constant 16 : i32
          %mul3A_480 = arith.muli %add3A_471, %mul3A_479 : i32
          %swap3A_481 = arith.constant 1 : i32
          %swap3A_482 = arith.index_cast %swap3A_481 : i32 to index
          %swap3A_483 = arith.index_cast %mul3A_480 : i32 to index
          %swap3A_484 = tpu.vector_load %arg7[%swap3A_482, %swap3A_483] {strides = array<i32>} : memref<2x2048xf32, #tpu.memory_space<vmem>>, vector<16xf32>,
          tpu.vector_store %arg7[%swap3A_482, %swap3A_483], %gather3A_478 {strides = array<i32>} : memref<2x2048xf32, #tpu.memory_space<vmem>>, vector<16xf32>,
          %scan3A_485 = arith.constant 12 : i32
          %scan3A_486 = arith.addi %scan3A_261, %scan3A_485 : i32
          %mul3A_487 = arith.constant 1 : i32
          %mul3A_488 = arith.muli %scan3A_486, %mul3A_487 : i32
          %add3A_489 = arith.constant 0 : i32
          %add3A_490 = arith.addi %add3A_489, %mul3A_488 : i32
          %mul3A_491 = arith.constant 16 : i32
          %mul3A_492 = arith.muli %add3A_490, %mul3A_491 : i32
          %get3A_493 = arith.constant 1 : i32
          %get3A_494 = arith.index_cast %get3A_493 : i32 to index
          %get3A_495 = arith.index_cast %mul3A_492 : i32 to index
          %get3A_496 = tpu.vector_load %arg6[%get3A_494, %get3A_495] {strides = array<i32>} : memref<2x2048xi32, #tpu.memory_space<vmem>>, vector<16xi32>,
          %gather3A_497 = tpu.vector_load_idx %arg5[%get3A_496] : memref<100000xf32, #tpu.memory_space<vmem>>[vector<16xi32>], vector<16xf32>,
          %mul3A_498 = arith.constant 16 : i32
          %mul3A_499 = arith.muli %add3A_490, %mul3A_498 : i32
          %swap3A_500 = arith.constant 1 : i32
          %swap3A_501 = arith.index_cast %swap3A_500 : i32 to index
          %swap3A_502 = arith.index_cast %mul3A_499 : i32 to index
          %swap3A_503 = tpu.vector_load %arg7[%swap3A_501, %swap3A_502] {strides = array<i32>} : memref<2x2048xf32, #tpu.memory_space<vmem>>, vector<16xf32>,
          tpu.vector_store %arg7[%swap3A_501, %swap3A_502], %gather3A_497 {strides = array<i32>} : memref<2x2048xf32, #tpu.memory_space<vmem>>, vector<16xf32>,
          %scan3A_504 = arith.constant 13 : i32
          %scan3A_505 = arith.addi %scan3A_261, %scan3A_504 : i32
          %mul3A_506 = arith.constant 1 : i32
          %mul3A_507 = arith.muli %scan3A_505, %mul3A_506 : i32
          %add3A_508 = arith.constant 0 : i32
          %add3A_509 = arith.addi %add3A_508, %mul3A_507 : i32
          %mul3A_510 = arith.constant 16 : i32
          %mul3A_511 = arith.muli %add3A_509, %mul3A_510 : i32
          %get3A_512 = arith.constant 1 : i32
          %get3A_513 = arith.index_cast %get3A_512 : i32 to index
          %get3A_514 = arith.index_cast %mul3A_511 : i32 to index
          %get3A_515 = tpu.vector_load %arg6[%get3A_513, %get3A_514] {strides = array<i32>} : memref<2x2048xi32, #tpu.memory_space<vmem>>, vector<16xi32>,
          %gather3A_516 = tpu.vector_load_idx %arg5[%get3A_515] : memref<100000xf32, #tpu.memory_space<vmem>>[vector<16xi32>], vector<16xf32>,
          %mul3A_517 = arith.constant 16 : i32
          %mul3A_518 = arith.muli %add3A_509, %mul3A_517 : i32
          %swap3A_519 = arith.constant 1 : i32
          %swap3A_520 = arith.index_cast %swap3A_519 : i32 to index
          %swap3A_521 = arith.index_cast %mul3A_518 : i32 to index
          %swap3A_522 = tpu.vector_load %arg7[%swap3A_520, %swap3A_521] {strides = array<i32>} : memref<2x2048xf32, #tpu.memory_space<vmem>>, vector<16xf32>,
          tpu.vector_store %arg7[%swap3A_520, %swap3A_521], %gather3A_516 {strides = array<i32>} : memref<2x2048xf32, #tpu.memory_space<vmem>>, vector<16xf32>,
          %scan3A_523 = arith.constant 14 : i32
          %scan3A_524 = arith.addi %scan3A_261, %scan3A_523 : i32
          %mul3A_525 = arith.constant 1 : i32
          %mul3A_526 = arith.muli %scan3A_524, %mul3A_525 : i32
          %add3A_527 = arith.constant 0 : i32
          %add3A_528 = arith.addi %add3A_527, %mul3A_526 : i32
          %mul3A_529 = arith.constant 16 : i32
          %mul3A_530 = arith.muli %add3A_528, %mul3A_529 : i32
          %get3A_531 = arith.constant 1 : i32
          %get3A_532 = arith.index_cast %get3A_531 : i32 to index
          %get3A_533 = arith.index_cast %mul3A_530 : i32 to index
          %get3A_534 = tpu.vector_load %arg6[%get3A_532, %get3A_533] {strides = array<i32>} : memref<2x2048xi32, #tpu.memory_space<vmem>>, vector<16xi32>,
          %gather3A_535 = tpu.vector_load_idx %arg5[%get3A_534] : memref<100000xf32, #tpu.memory_space<vmem>>[vector<16xi32>], vector<16xf32>,
          %mul3A_536 = arith.constant 16 : i32
          %mul3A_537 = arith.muli %add3A_528, %mul3A_536 : i32
          %swap3A_538 = arith.constant 1 : i32
          %swap3A_539 = arith.index_cast %swap3A_538 : i32 to index
          %swap3A_540 = arith.index_cast %mul3A_537 : i32 to index
          %swap3A_541 = tpu.vector_load %arg7[%swap3A_539, %swap3A_540] {strides = array<i32>} : memref<2x2048xf32, #tpu.memory_space<vmem>>, vector<16xf32>,
          tpu.vector_store %arg7[%swap3A_539, %swap3A_540], %gather3A_535 {strides = array<i32>} : memref<2x2048xf32, #tpu.memory_space<vmem>>, vector<16xf32>,
          %scan3A_542 = arith.constant 15 : i32
          %scan3A_543 = arith.addi %scan3A_261, %scan3A_542 : i32
          %mul3A_544 = arith.constant 1 : i32
          %mul3A_545 = arith.muli %scan3A_543, %mul3A_544 : i32
          %add3A_546 = arith.constant 0 : i32
          %add3A_547 = arith.addi %add3A_546, %mul3A_545 : i32
          %mul3A_548 = arith.constant 16 : i32
          %mul3A_549 = arith.muli %add3A_547, %mul3A_548 : i32
          %get3A_550 = arith.constant 1 : i32
          %get3A_551 = arith.index_cast %get3A_550 : i32 to index
          %get3A_552 = arith.index_cast %mul3A_549 : i32 to index
          %get3A_553 = tpu.vector_load %arg6[%get3A_551, %get3A_552] {strides = array<i32>} : memref<2x2048xi32, #tpu.memory_space<vmem>>, vector<16xi32>,
          %gather3A_554 = tpu.vector_load_idx %arg5[%get3A_553] : memref<100000xf32, #tpu.memory_space<vmem>>[vector<16xi32>], vector<16xf32>,
          %mul3A_555 = arith.constant 16 : i32
          %mul3A_556 = arith.muli %add3A_547, %mul3A_555 : i32
          %swap3A_557 = arith.constant 1 : i32
          %swap3A_558 = arith.index_cast %swap3A_557 : i32 to index
          %swap3A_559 = arith.index_cast %mul3A_556 : i32 to index
          %swap3A_560 = tpu.vector_load %arg7[%swap3A_558, %swap3A_559] {strides = array<i32>} : memref<2x2048xf32, #tpu.memory_space<vmem>>, vector<16xf32>,
          tpu.vector_store %arg7[%swap3A_558, %swap3A_559], %gather3A_554 {strides = array<i32>} : memref<2x2048xf32, #tpu.memory_space<vmem>>, vector<16xf32>,
          %scan3A_561 = arith.constant 16 : i32
          %scan3A_562 = arith.addi %scan3A_261, %scan3A_561 : i32
          %mul3A_563 = arith.constant 1 : i32
          %mul3A_564 = arith.muli %scan3A_562, %mul3A_563 : i32
          %add3A_565 = arith.constant 0 : i32
          %add3A_566 = arith.addi %add3A_565, %mul3A_564 : i32
          %mul3A_567 = arith.constant 16 : i32
          %mul3A_568 = arith.muli %add3A_566, %mul3A_567 : i32
          %get3A_569 = arith.constant 1 : i32
          %get3A_570 = arith.index_cast %get3A_569 : i32 to index
          %get3A_571 = arith.index_cast %mul3A_568 : i32 to index
          %get3A_572 = tpu.vector_load %arg6[%get3A_570, %get3A_571] {strides = array<i32>} : memref<2x2048xi32, #tpu.memory_space<vmem>>, vector<16xi32>,
          %gather3A_573 = tpu.vector_load_idx %arg5[%get3A_572] : memref<100000xf32, #tpu.memory_space<vmem>>[vector<16xi32>], vector<16xf32>,
          %mul3A_574 = arith.constant 16 : i32
          %mul3A_575 = arith.muli %add3A_566, %mul3A_574 : i32
          %swap3A_576 = arith.constant 1 : i32
          %swap3A_577 = arith.index_cast %swap3A_576 : i32 to index
          %swap3A_578 = arith.index_cast %mul3A_575 : i32 to index
          %swap3A_579 = tpu.vector_load %arg7[%swap3A_577, %swap3A_578] {strides = array<i32>} : memref<2x2048xf32, #tpu.memory_space<vmem>>, vector<16xf32>,
          tpu.vector_store %arg7[%swap3A_577, %swap3A_578], %gather3A_573 {strides = array<i32>} : memref<2x2048xf32, #tpu.memory_space<vmem>>, vector<16xf32>,
          %scan3A_580 = arith.constant 17 : i32
          %scan3A_581 = arith.addi %scan3A_261, %scan3A_580 : i32
          %mul3A_582 = arith.constant 1 : i32
          %mul3A_583 = arith.muli %scan3A_581, %mul3A_582 : i32
          %add3A_584 = arith.constant 0 : i32
          %add3A_585 = arith.addi %add3A_584, %mul3A_583 : i32
          %mul3A_586 = arith.constant 16 : i32
          %mul3A_587 = arith.muli %add3A_585, %mul3A_586 : i32
          %get3A_588 = arith.constant 1 : i32
          %get3A_589 = arith.index_cast %get3A_588 : i32 to index
          %get3A_590 = arith.index_cast %mul3A_587 : i32 to index
          %get3A_591 = tpu.vector_load %arg6[%get3A_589, %get3A_590] {strides = array<i32>} : memref<2x2048xi32, #tpu.memory_space<vmem>>, vector<16xi32>,
          %gather3A_592 = tpu.vector_load_idx %arg5[%get3A_591] : memref<100000xf32, #tpu.memory_space<vmem>>[vector<16xi32>], vector<16xf32>,
          %mul3A_593 = arith.constant 16 : i32
          %mul3A_594 = arith.muli %add3A_585, %mul3A_593 : i32
          %swap3A_595 = arith.constant 1 : i32
          %swap3A_596 = arith.index_cast %swap3A_595 : i32 to index
          %swap3A_597 = arith.index_cast %mul3A_594 : i32 to index
          %swap3A_598 = tpu.vector_load %arg7[%swap3A_596, %swap3A_597] {strides = array<i32>} : memref<2x2048xf32, #tpu.memory_space<vmem>>, vector<16xf32>,
          tpu.vector_store %arg7[%swap3A_596, %swap3A_597], %gather3A_592 {strides = array<i32>} : memref<2x2048xf32, #tpu.memory_space<vmem>>, vector<16xf32>,
          %scan3A_599 = arith.constant 18 : i32
          %scan3A_600 = arith.addi %scan3A_261, %scan3A_599 : i32
          %mul3A_601 = arith.constant 1 : i32
          %mul3A_602 = arith.muli %scan3A_600, %mul3A_601 : i32
          %add3A_603 = arith.constant 0 : i32
          %add3A_604 = arith.addi %add3A_603, %mul3A_602 : i32
          %mul3A_605 = arith.constant 16 : i32
          %mul3A_606 = arith.muli %add3A_604, %mul3A_605 : i32
          %get3A_607 = arith.constant 1 : i32
          %get3A_608 = arith.index_cast %get3A_607 : i32 to index
          %get3A_609 = arith.index_cast %mul3A_606 : i32 to index
          %get3A_610 = tpu.vector_load %arg6[%get3A_608, %get3A_609] {strides = array<i32>} : memref<2x2048xi32, #tpu.memory_space<vmem>>, vector<16xi32>,
          %gather3A_611 = tpu.vector_load_idx %arg5[%get3A_610] : memref<100000xf32, #tpu.memory_space<vmem>>[vector<16xi32>], vector<16xf32>,
          %mul3A_612 = arith.constant 16 : i32
          %mul3A_613 = arith.muli %add3A_604, %mul3A_612 : i32
          %swap3A_614 = arith.constant 1 : i32
          %swap3A_615 = arith.index_cast %swap3A_614 : i32 to index
          %swap3A_616 = arith.index_cast %mul3A_613 : i32 to index
          %swap3A_617 = tpu.vector_load %arg7[%swap3A_615, %swap3A_616] {strides = array<i32>} : memref<2x2048xf32, #tpu.memory_space<vmem>>, vector<16xf32>,
          tpu.vector_store %arg7[%swap3A_615, %swap3A_616], %gather3A_611 {strides = array<i32>} : memref<2x2048xf32, #tpu.memory_space<vmem>>, vector<16xf32>,
          %scan3A_618 = arith.constant 19 : i32
          %scan3A_619 = arith.addi %scan3A_261, %scan3A_618 : i32
          %mul3A_620 = arith.constant 1 : i32
          %mul3A_621 = arith.muli %scan3A_619, %mul3A_620 : i32
          %add3A_622 = arith.constant 0 : i32
          %add3A_623 = arith.addi %add3A_622, %mul3A_621 : i32
          %mul3A_624 = arith.constant 16 : i32
          %mul3A_625 = arith.muli %add3A_623, %mul3A_624 : i32
          %get3A_626 = arith.constant 1 : i32
          %get3A_627 = arith.index_cast %get3A_626 : i32 to index
          %get3A_628 = arith.index_cast %mul3A_625 : i32 to index
          %get3A_629 = tpu.vector_load %arg6[%get3A_627, %get3A_628] {strides = array<i32>} : memref<2x2048xi32, #tpu.memory_space<vmem>>, vector<16xi32>,
          %gather3A_630 = tpu.vector_load_idx %arg5[%get3A_629] : memref<100000xf32, #tpu.memory_space<vmem>>[vector<16xi32>], vector<16xf32>,
          %mul3A_631 = arith.constant 16 : i32
          %mul3A_632 = arith.muli %add3A_623, %mul3A_631 : i32
          %swap3A_633 = arith.constant 1 : i32
          %swap3A_634 = arith.index_cast %swap3A_633 : i32 to index
          %swap3A_635 = arith.index_cast %mul3A_632 : i32 to index
          %swap3A_636 = tpu.vector_load %arg7[%swap3A_634, %swap3A_635] {strides = array<i32>} : memref<2x2048xf32, #tpu.memory_space<vmem>>, vector<16xf32>,
          tpu.vector_store %arg7[%swap3A_634, %swap3A_635], %gather3A_630 {strides = array<i32>} : memref<2x2048xf32, #tpu.memory_space<vmem>>, vector<16xf32>,
          %scan3A_637 = arith.constant 20 : i32
          %scan3A_638 = arith.addi %scan3A_261, %scan3A_637 : i32
          %mul3A_639 = arith.constant 1 : i32
          %mul3A_640 = arith.muli %scan3A_638, %mul3A_639 : i32
          %add3A_641 = arith.constant 0 : i32
          %add3A_642 = arith.addi %add3A_641, %mul3A_640 : i32
          %mul3A_643 = arith.constant 16 : i32
          %mul3A_644 = arith.muli %add3A_642, %mul3A_643 : i32
          %get3A_645 = arith.constant 1 : i32
          %get3A_646 = arith.index_cast %get3A_645 : i32 to index
          %get3A_647 = arith.index_cast %mul3A_644 : i32 to index
          %get3A_648 = tpu.vector_load %arg6[%get3A_646, %get3A_647] {strides = array<i32>} : memref<2x2048xi32, #tpu.memory_space<vmem>>, vector<16xi32>,
          %gather3A_649 = tpu.vector_load_idx %arg5[%get3A_648] : memref<100000xf32, #tpu.memory_space<vmem>>[vector<16xi32>], vector<16xf32>,
          %mul3A_650 = arith.constant 16 : i32
          %mul3A_651 = arith.muli %add3A_642, %mul3A_650 : i32
          %swap3A_652 = arith.constant 1 : i32
          %swap3A_653 = arith.index_cast %swap3A_652 : i32 to index
          %swap3A_654 = arith.index_cast %mul3A_651 : i32 to index
          %swap3A_655 = tpu.vector_load %arg7[%swap3A_653, %swap3A_654] {strides = array<i32>} : memref<2x2048xf32, #tpu.memory_space<vmem>>, vector<16xf32>,
          tpu.vector_store %arg7[%swap3A_653, %swap3A_654], %gather3A_649 {strides = array<i32>} : memref<2x2048xf32, #tpu.memory_space<vmem>>, vector<16xf32>,
          %scan3A_656 = arith.constant 21 : i32
          %scan3A_657 = arith.addi %scan3A_261, %scan3A_656 : i32
          %mul3A_658 = arith.constant 1 : i32
          %mul3A_659 = arith.muli %scan3A_657, %mul3A_658 : i32
          %add3A_660 = arith.constant 0 : i32
          %add3A_661 = arith.addi %add3A_660, %mul3A_659 : i32
          %mul3A_662 = arith.constant 16 : i32
          %mul3A_663 = arith.muli %add3A_661, %mul3A_662 : i32
          %get3A_664 = arith.constant 1 : i32
          %get3A_665 = arith.index_cast %get3A_664 : i32 to index
          %get3A_666 = arith.index_cast %mul3A_663 : i32 to index
          %get3A_667 = tpu.vector_load %arg6[%get3A_665, %get3A_666] {strides = array<i32>} : memref<2x2048xi32, #tpu.memory_space<vmem>>, vector<16xi32>,
          %gather3A_668 = tpu.vector_load_idx %arg5[%get3A_667] : memref<100000xf32, #tpu.memory_space<vmem>>[vector<16xi32>], vector<16xf32>,
          %mul3A_669 = arith.constant 16 : i32
          %mul3A_670 = arith.muli %add3A_661, %mul3A_669 : i32
          %swap3A_671 = arith.constant 1 : i32
          %swap3A_672 = arith.index_cast %swap3A_671 : i32 to index
          %swap3A_673 = arith.index_cast %mul3A_670 : i32 to index
          %swap3A_674 = tpu.vector_load %arg7[%swap3A_672, %swap3A_673] {strides = array<i32>} : memref<2x2048xf32, #tpu.memory_space<vmem>>, vector<16xf32>,
          tpu.vector_store %arg7[%swap3A_672, %swap3A_673], %gather3A_668 {strides = array<i32>} : memref<2x2048xf32, #tpu.memory_space<vmem>>, vector<16xf32>,
          %scan3A_675 = arith.constant 22 : i32
          %scan3A_676 = arith.addi %scan3A_261, %scan3A_675 : i32
          %mul3A_677 = arith.constant 1 : i32
          %mul3A_678 = arith.muli %scan3A_676, %mul3A_677 : i32
          %add3A_679 = arith.constant 0 : i32
          %add3A_680 = arith.addi %add3A_679, %mul3A_678 : i32
          %mul3A_681 = arith.constant 16 : i32
          %mul3A_682 = arith.muli %add3A_680, %mul3A_681 : i32
          %get3A_683 = arith.constant 1 : i32
          %get3A_684 = arith.index_cast %get3A_683 : i32 to index
          %get3A_685 = arith.index_cast %mul3A_682 : i32 to index
          %get3A_686 = tpu.vector_load %arg6[%get3A_684, %get3A_685] {strides = array<i32>} : memref<2x2048xi32, #tpu.memory_space<vmem>>, vector<16xi32>,
          %gather3A_687 = tpu.vector_load_idx %arg5[%get3A_686] : memref<100000xf32, #tpu.memory_space<vmem>>[vector<16xi32>], vector<16xf32>,
          %mul3A_688 = arith.constant 16 : i32
          %mul3A_689 = arith.muli %add3A_680, %mul3A_688 : i32
          %swap3A_690 = arith.constant 1 : i32
          %swap3A_691 = arith.index_cast %swap3A_690 : i32 to index
          %swap3A_692 = arith.index_cast %mul3A_689 : i32 to index
          %swap3A_693 = tpu.vector_load %arg7[%swap3A_691, %swap3A_692] {strides = array<i32>} : memref<2x2048xf32, #tpu.memory_space<vmem>>, vector<16xf32>,
          tpu.vector_store %arg7[%swap3A_691, %swap3A_692], %gather3A_687 {strides = array<i32>} : memref<2x2048xf32, #tpu.memory_space<vmem>>, vector<16xf32>,
          %scan3A_694 = arith.constant 23 : i32
          %scan3A_695 = arith.addi %scan3A_261, %scan3A_694 : i32
          %mul3A_696 = arith.constant 1 : i32
          %mul3A_697 = arith.muli %scan3A_695, %mul3A_696 : i32
          %add3A_698 = arith.constant 0 : i32
          %add3A_699 = arith.addi %add3A_698, %mul3A_697 : i32
          %mul3A_700 = arith.constant 16 : i32
          %mul3A_701 = arith.muli %add3A_699, %mul3A_700 : i32
          %get3A_702 = arith.constant 1 : i32
          %get3A_703 = arith.index_cast %get3A_702 : i32 to index
          %get3A_704 = arith.index_cast %mul3A_701 : i32 to index
          %get3A_705 = tpu.vector_load %arg6[%get3A_703, %get3A_704] {strides = array<i32>} : memref<2x2048xi32, #tpu.memory_space<vmem>>, vector<16xi32>,
          %gather3A_706 = tpu.vector_load_idx %arg5[%get3A_705] : memref<100000xf32, #tpu.memory_space<vmem>>[vector<16xi32>], vector<16xf32>,
          %mul3A_707 = arith.constant 16 : i32
          %mul3A_708 = arith.muli %add3A_699, %mul3A_707 : i32
          %swap3A_709 = arith.constant 1 : i32
          %swap3A_710 = arith.index_cast %swap3A_709 : i32 to index
          %swap3A_711 = arith.index_cast %mul3A_708 : i32 to index
          %swap3A_712 = tpu.vector_load %arg7[%swap3A_710, %swap3A_711] {strides = array<i32>} : memref<2x2048xf32, #tpu.memory_space<vmem>>, vector<16xf32>,
          tpu.vector_store %arg7[%swap3A_710, %swap3A_711], %gather3A_706 {strides = array<i32>} : memref<2x2048xf32, #tpu.memory_space<vmem>>, vector<16xf32>,
          %scan3A_713 = arith.constant 24 : i32
          %scan3A_714 = arith.addi %scan3A_261, %scan3A_713 : i32
          %mul3A_715 = arith.constant 1 : i32
          %mul3A_716 = arith.muli %scan3A_714, %mul3A_715 : i32
          %add3A_717 = arith.constant 0 : i32
          %add3A_718 = arith.addi %add3A_717, %mul3A_716 : i32
          %mul3A_719 = arith.constant 16 : i32
          %mul3A_720 = arith.muli %add3A_718, %mul3A_719 : i32
          %get3A_721 = arith.constant 1 : i32
          %get3A_722 = arith.index_cast %get3A_721 : i32 to index
          %get3A_723 = arith.index_cast %mul3A_720 : i32 to index
          %get3A_724 = tpu.vector_load %arg6[%get3A_722, %get3A_723] {strides = array<i32>} : memref<2x2048xi32, #tpu.memory_space<vmem>>, vector<16xi32>,
          %gather3A_725 = tpu.vector_load_idx %arg5[%get3A_724] : memref<100000xf32, #tpu.memory_space<vmem>>[vector<16xi32>], vector<16xf32>,
          %mul3A_726 = arith.constant 16 : i32
          %mul3A_727 = arith.muli %add3A_718, %mul3A_726 : i32
          %swap3A_728 = arith.constant 1 : i32
          %swap3A_729 = arith.index_cast %swap3A_728 : i32 to index
          %swap3A_730 = arith.index_cast %mul3A_727 : i32 to index
          %swap3A_731 = tpu.vector_load %arg7[%swap3A_729, %swap3A_730] {strides = array<i32>} : memref<2x2048xf32, #tpu.memory_space<vmem>>, vector<16xf32>,
          tpu.vector_store %arg7[%swap3A_729, %swap3A_730], %gather3A_725 {strides = array<i32>} : memref<2x2048xf32, #tpu.memory_space<vmem>>, vector<16xf32>,
          %scan3A_732 = arith.constant 25 : i32
          %scan3A_733 = arith.addi %scan3A_261, %scan3A_732 : i32
          %mul3A_734 = arith.constant 1 : i32
          %mul3A_735 = arith.muli %scan3A_733, %mul3A_734 : i32
          %add3A_736 = arith.constant 0 : i32
          %add3A_737 = arith.addi %add3A_736, %mul3A_735 : i32
          %mul3A_738 = arith.constant 16 : i32
          %mul3A_739 = arith.muli %add3A_737, %mul3A_738 : i32
          %get3A_740 = arith.constant 1 : i32
          %get3A_741 = arith.index_cast %get3A_740 : i32 to index
          %get3A_742 = arith.index_cast %mul3A_739 : i32 to index
          %get3A_743 = tpu.vector_load %arg6[%get3A_741, %get3A_742] {strides = array<i32>} : memref<2x2048xi32, #tpu.memory_space<vmem>>, vector<16xi32>,
          %gather3A_744 = tpu.vector_load_idx %arg5[%get3A_743] : memref<100000xf32, #tpu.memory_space<vmem>>[vector<16xi32>], vector<16xf32>,
          %mul3A_745 = arith.constant 16 : i32
          %mul3A_746 = arith.muli %add3A_737, %mul3A_745 : i32
          %swap3A_747 = arith.constant 1 : i32
          %swap3A_748 = arith.index_cast %swap3A_747 : i32 to index
          %swap3A_749 = arith.index_cast %mul3A_746 : i32 to index
          %swap3A_750 = tpu.vector_load %arg7[%swap3A_748, %swap3A_749] {strides = array<i32>} : memref<2x2048xf32, #tpu.memory_space<vmem>>, vector<16xf32>,
          tpu.vector_store %arg7[%swap3A_748, %swap3A_749], %gather3A_744 {strides = array<i32>} : memref<2x2048xf32, #tpu.memory_space<vmem>>, vector<16xf32>,
          %scan3A_751 = arith.constant 26 : i32
          %scan3A_752 = arith.addi %scan3A_261, %scan3A_751 : i32
          %mul3A_753 = arith.constant 1 : i32
          %mul3A_754 = arith.muli %scan3A_752, %mul3A_753 : i32
          %add3A_755 = arith.constant 0 : i32
          %add3A_756 = arith.addi %add3A_755, %mul3A_754 : i32
          %mul3A_757 = arith.constant 16 : i32
          %mul3A_758 = arith.muli %add3A_756, %mul3A_757 : i32
          %get3A_759 = arith.constant 1 : i32
          %get3A_760 = arith.index_cast %get3A_759 : i32 to index
          %get3A_761 = arith.index_cast %mul3A_758 : i32 to index
          %get3A_762 = tpu.vector_load %arg6[%get3A_760, %get3A_761] {strides = array<i32>} : memref<2x2048xi32, #tpu.memory_space<vmem>>, vector<16xi32>,
          %gather3A_763 = tpu.vector_load_idx %arg5[%get3A_762] : memref<100000xf32, #tpu.memory_space<vmem>>[vector<16xi32>], vector<16xf32>,
          %mul3A_764 = arith.constant 16 : i32
          %mul3A_765 = arith.muli %add3A_756, %mul3A_764 : i32
          %swap3A_766 = arith.constant 1 : i32
          %swap3A_767 = arith.index_cast %swap3A_766 : i32 to index
          %swap3A_768 = arith.index_cast %mul3A_765 : i32 to index
          %swap3A_769 = tpu.vector_load %arg7[%swap3A_767, %swap3A_768] {strides = array<i32>} : memref<2x2048xf32, #tpu.memory_space<vmem>>, vector<16xf32>,
          tpu.vector_store %arg7[%swap3A_767, %swap3A_768], %gather3A_763 {strides = array<i32>} : memref<2x2048xf32, #tpu.memory_space<vmem>>, vector<16xf32>,
          %scan3A_770 = arith.constant 27 : i32
          %scan3A_771 = arith.addi %scan3A_261, %scan3A_770 : i32
          %mul3A_772 = arith.constant 1 : i32
          %mul3A_773 = arith.muli %scan3A_771, %mul3A_772 : i32
          %add3A_774 = arith.constant 0 : i32
          %add3A_775 = arith.addi %add3A_774, %mul3A_773 : i32
          %mul3A_776 = arith.constant 16 : i32
          %mul3A_777 = arith.muli %add3A_775, %mul3A_776 : i32
          %get3A_778 = arith.constant 1 : i32
          %get3A_779 = arith.index_cast %get3A_778 : i32 to index
          %get3A_780 = arith.index_cast %mul3A_777 : i32 to index
          %get3A_781 = tpu.vector_load %arg6[%get3A_779, %get3A_780] {strides = array<i32>} : memref<2x2048xi32, #tpu.memory_space<vmem>>, vector<16xi32>,
          %gather3A_782 = tpu.vector_load_idx %arg5[%get3A_781] : memref<100000xf32, #tpu.memory_space<vmem>>[vector<16xi32>], vector<16xf32>,
          %mul3A_783 = arith.constant 16 : i32
          %mul3A_784 = arith.muli %add3A_775, %mul3A_783 : i32
          %swap3A_785 = arith.constant 1 : i32
          %swap3A_786 = arith.index_cast %swap3A_785 : i32 to index
          %swap3A_787 = arith.index_cast %mul3A_784 : i32 to index
          %swap3A_788 = tpu.vector_load %arg7[%swap3A_786, %swap3A_787] {strides = array<i32>} : memref<2x2048xf32, #tpu.memory_space<vmem>>, vector<16xf32>,
          tpu.vector_store %arg7[%swap3A_786, %swap3A_787], %gather3A_782 {strides = array<i32>} : memref<2x2048xf32, #tpu.memory_space<vmem>>, vector<16xf32>,
          %scan3A_789 = arith.constant 28 : i32
          %scan3A_790 = arith.addi %scan3A_261, %scan3A_789 : i32
          %mul3A_791 = arith.constant 1 : i32
          %mul3A_792 = arith.muli %scan3A_790, %mul3A_791 : i32
          %add3A_793 = arith.constant 0 : i32
          %add3A_794 = arith.addi %add3A_793, %mul3A_792 : i32
          %mul3A_795 = arith.constant 16 : i32
          %mul3A_796 = arith.muli %add3A_794, %mul3A_795 : i32
          %get3A_797 = arith.constant 1 : i32
          %get3A_798 = arith.index_cast %get3A_797 : i32 to index
          %get3A_799 = arith.index_cast %mul3A_796 : i32 to index
          %get3A_800 = tpu.vector_load %arg6[%get3A_798, %get3A_799] {strides = array<i32>} : memref<2x2048xi32, #tpu.memory_space<vmem>>, vector<16xi32>,
          %gather3A_801 = tpu.vector_load_idx %arg5[%get3A_800] : memref<100000xf32, #tpu.memory_space<vmem>>[vector<16xi32>], vector<16xf32>,
          %mul3A_802 = arith.constant 16 : i32
          %mul3A_803 = arith.muli %add3A_794, %mul3A_802 : i32
          %swap3A_804 = arith.constant 1 : i32
          %swap3A_805 = arith.index_cast %swap3A_804 : i32 to index
          %swap3A_806 = arith.index_cast %mul3A_803 : i32 to index
          %swap3A_807 = tpu.vector_load %arg7[%swap3A_805, %swap3A_806] {strides = array<i32>} : memref<2x2048xf32, #tpu.memory_space<vmem>>, vector<16xf32>,
          tpu.vector_store %arg7[%swap3A_805, %swap3A_806], %gather3A_801 {strides = array<i32>} : memref<2x2048xf32, #tpu.memory_space<vmem>>, vector<16xf32>,
          %scan3A_808 = arith.constant 29 : i32
          %scan3A_809 = arith.addi %scan3A_261, %scan3A_808 : i32
          %mul3A_810 = arith.constant 1 : i32
          %mul3A_811 = arith.muli %scan3A_809, %mul3A_810 : i32
          %add3A_812 = arith.constant 0 : i32
          %add3A_813 = arith.addi %add3A_812, %mul3A_811 : i32
          %mul3A_814 = arith.constant 16 : i32
          %mul3A_815 = arith.muli %add3A_813, %mul3A_814 : i32
          %get3A_816 = arith.constant 1 : i32
          %get3A_817 = arith.index_cast %get3A_816 : i32 to index
          %get3A_818 = arith.index_cast %mul3A_815 : i32 to index
          %get3A_819 = tpu.vector_load %arg6[%get3A_817, %get3A_818] {strides = array<i32>} : memref<2x2048xi32, #tpu.memory_space<vmem>>, vector<16xi32>,
          %gather3A_820 = tpu.vector_load_idx %arg5[%get3A_819] : memref<100000xf32, #tpu.memory_space<vmem>>[vector<16xi32>], vector<16xf32>,
          %mul3A_821 = arith.constant 16 : i32
          %mul3A_822 = arith.muli %add3A_813, %mul3A_821 : i32
          %swap3A_823 = arith.constant 1 : i32
          %swap3A_824 = arith.index_cast %swap3A_823 : i32 to index
          %swap3A_825 = arith.index_cast %mul3A_822 : i32 to index
          %swap3A_826 = tpu.vector_load %arg7[%swap3A_824, %swap3A_825] {strides = array<i32>} : memref<2x2048xf32, #tpu.memory_space<vmem>>, vector<16xf32>,
          tpu.vector_store %arg7[%swap3A_824, %swap3A_825], %gather3A_820 {strides = array<i32>} : memref<2x2048xf32, #tpu.memory_space<vmem>>, vector<16xf32>,
          %scan3A_827 = arith.constant 30 : i32
          %scan3A_828 = arith.addi %scan3A_261, %scan3A_827 : i32
          %mul3A_829 = arith.constant 1 : i32
          %mul3A_830 = arith.muli %scan3A_828, %mul3A_829 : i32
          %add3A_831 = arith.constant 0 : i32
          %add3A_832 = arith.addi %add3A_831, %mul3A_830 : i32
          %mul3A_833 = arith.constant 16 : i32
          %mul3A_834 = arith.muli %add3A_832, %mul3A_833 : i32
          %get3A_835 = arith.constant 1 : i32
          %get3A_836 = arith.index_cast %get3A_835 : i32 to index
          %get3A_837 = arith.index_cast %mul3A_834 : i32 to index
          %get3A_838 = tpu.vector_load %arg6[%get3A_836, %get3A_837] {strides = array<i32>} : memref<2x2048xi32, #tpu.memory_space<vmem>>, vector<16xi32>,
          %gather3A_839 = tpu.vector_load_idx %arg5[%get3A_838] : memref<100000xf32, #tpu.memory_space<vmem>>[vector<16xi32>], vector<16xf32>,
          %mul3A_840 = arith.constant 16 : i32
          %mul3A_841 = arith.muli %add3A_832, %mul3A_840 : i32
          %swap3A_842 = arith.constant 1 : i32
          %swap3A_843 = arith.index_cast %swap3A_842 : i32 to index
          %swap3A_844 = arith.index_cast %mul3A_841 : i32 to index
          %swap3A_845 = tpu.vector_load %arg7[%swap3A_843, %swap3A_844] {strides = array<i32>} : memref<2x2048xf32, #tpu.memory_space<vmem>>, vector<16xf32>,
          tpu.vector_store %arg7[%swap3A_843, %swap3A_844], %gather3A_839 {strides = array<i32>} : memref<2x2048xf32, #tpu.memory_space<vmem>>, vector<16xf32>,
          %scan3A_846 = arith.constant 31 : i32
          %scan3A_847 = arith.addi %scan3A_261, %scan3A_846 : i32
          %mul3A_848 = arith.constant 1 : i32
          %mul3A_849 = arith.muli %scan3A_847, %mul3A_848 : i32
          %add3A_850 = arith.constant 0 : i32
          %add3A_851 = arith.addi %add3A_850, %mul3A_849 : i32
          %mul3A_852 = arith.constant 16 : i32
          %mul3A_853 = arith.muli %add3A_851, %mul3A_852 : i32
          %get3A_854 = arith.constant 1 : i32
          %get3A_855 = arith.index_cast %get3A_854 : i32 to index
          %get3A_856 = arith.index_cast %mul3A_853 : i32 to index
          %get3A_857 = tpu.vector_load %arg6[%get3A_855, %get3A_856] {strides = array<i32>} : memref<2x2048xi32, #tpu.memory_space<vmem>>, vector<16xi32>,
          %gather3A_858 = tpu.vector_load_idx %arg5[%get3A_857] : memref<100000xf32, #tpu.memory_space<vmem>>[vector<16xi32>], vector<16xf32>,
          %mul3A_859 = arith.constant 16 : i32
          %mul3A_860 = arith.muli %add3A_851, %mul3A_859 : i32
          %swap3A_861 = arith.constant 1 : i32
          %swap3A_862 = arith.index_cast %swap3A_861 : i32 to index
          %swap3A_863 = arith.index_cast %mul3A_860 : i32 to index
          %swap3A_864 = tpu.vector_load %arg7[%swap3A_862, %swap3A_863] {strides = array<i32>} : memref<2x2048xf32, #tpu.memory_space<vmem>>, vector<16xf32>,
          tpu.vector_store %arg7[%swap3A_862, %swap3A_863], %gather3A_858 {strides = array<i32>} : memref<2x2048xf32, #tpu.memory_space<vmem>>, vector<16xf32>,
        }
        %scan3A_237 = arith.constant 128 : i32
        %eq3A_238 = arith.constant 7 : i32
        %eq3A_239 = arith.cmpi eq, %add3A_163, %eq3A_238 : i32
        %add3A_240 = arith.constant 1 : i32
        %add3A_241 = arith.addi %add3A_58, %add3A_240 : i32
        %lt3A_242 = arith.constant 26 : i32
        %lt3A_243 = arith.cmpi slt, %add3A_241, %lt3A_242 : i32
        %and3A_244 = arith.andi %eq3A_239, %lt3A_243 : i1
        %convert_element_type3A_245 = arith.extui %and3A_244 : i1 to i32
        %cond3A_246 = arith.constant 0 : i32
        %cond3A_247 = arith.cmpi ne, %convert_element_type3A_245, %cond3A_246 : i32
        scf.if %cond3A_247 {
          %add3A_261 = arith.constant 1 : i32
          %add3A_262 = arith.addi %add3A_58, %add3A_261 : i32
          %dma_start3A_263 = arith.constant 0 : i32
          %dma_start3A_264 = tpu.memref_slice %arg3[%add3A_262, %add3A, %dma_start3A_263] : memref<26x32x100000xf32, #tpu.memory_space<hbm>> -> memref<1x1x100000xf32, #tpu.memory_space<hbm>>
          %dma_start3A_265 = tpu.memref_squeeze %dma_start3A_264 : memref<1x1x100000xf32, #tpu.memory_space<hbm>> -> memref<100000xf32, #tpu.memory_space<hbm>>
          %dma_start3A_266 = arith.constant 0 : i32
          %dma_start3A_267 = tpu.memref_slice %arg3[%add3A_262, %add3A, %dma_start3A_266] : memref<26x32x100000xf32, #tpu.memory_space<hbm>> -> memref<1x1x100000xf32, #tpu.memory_space<hbm>>
          %dma_start3A_268 = tpu.memref_squeeze %dma_start3A_267 : memref<1x1x100000xf32, #tpu.memory_space<hbm>> -> memref<100000xf32, #tpu.memory_space<hbm>>
          tpu.enqueue_dma source(%dma_start3A_268 : memref<100000xf32, #tpu.memory_space<hbm>>) target(%arg5 : memref<100000xf32, #tpu.memory_space<vmem>>) target_semaphore(%arg8 : memref<!tpu.dma_semaphore, #tpu.memory_space<semaphore_mem>>)
        } else {
        }
        %mul3A_248 = arith.constant 2048 : i32
        %mul3A_249 = arith.muli %add3A_163, %mul3A_248 : i32
        %dma_start3A_250 = arith.constant 1 : i32
        %dma_start3A_251 = arith.constant 0 : i32
        %dma_start3A_252 = tpu.memref_slice %arg7[%dma_start3A_250, %dma_start3A_251] : memref<2x2048xf32, #tpu.memory_space<vmem>> -> memref<1x2048xf32, #tpu.memory_space<vmem>>
        %dma_start3A_253 = tpu.memref_squeeze %dma_start3A_252 : memref<1x2048xf32, #tpu.memory_space<vmem>> -> memref<2048xf32, #tpu.memory_space<vmem>>
        %dma_start3A_254 = tpu.memref_slice %arg4[%add3A_58, %add3A, %mul3A_249] : memref<26x32x16384xf32, #tpu.memory_space<hbm>> -> memref<1x1x2048xf32, #tpu.memory_space<hbm>>
        %dma_start3A_255 = tpu.memref_squeeze %dma_start3A_254 : memref<1x1x2048xf32, #tpu.memory_space<hbm>> -> memref<2048xf32, #tpu.memory_space<hbm>>
        %dma_start3A_256 = tpu.memref_slice %arg4[%add3A_58, %add3A, %mul3A_249] : memref<26x32x16384xf32, #tpu.memory_space<hbm>> -> memref<1x1x2048xf32, #tpu.memory_space<hbm>>
        %dma_start3A_257 = tpu.memref_squeeze %dma_start3A_256 : memref<1x1x2048xf32, #tpu.memory_space<hbm>> -> memref<2048xf32, #tpu.memory_space<hbm>>
        %dma_start3A_258 = arith.constant 0 : i32
        %dma_start3A_259 = tpu.memref_slice %arg7[%dma_start3A_250, %dma_start3A_258] : memref<2x2048xf32, #tpu.memory_space<vmem>> -> memref<1x2048xf32, #tpu.memory_space<vmem>>
        %dma_start3A_260 = tpu.memref_squeeze %dma_start3A_259 : memref<1x2048xf32, #tpu.memory_space<vmem>> -> memref<2048xf32, #tpu.memory_space<vmem>>
        tpu.enqueue_dma source(%dma_start3A_260 : memref<2048xf32, #tpu.memory_space<vmem>>) target(%dma_start3A_257 : memref<2048xf32, #tpu.memory_space<hbm>>) target_semaphore(%arg10 : memref<!tpu.dma_semaphore, #tpu.memory_space<semaphore_mem>>)
      }
      %scan3A_70 = arith.constant 4 : i32
    }
    %scan3A_24 = arith.constant 26 : i32
    %dma_wait3A = arith.constant 0 : i32
    %dma_wait3A_25 = arith.constant 0 : i32
    %dma_wait3A_26 = arith.constant 0 : i32
    %dma_wait3A_27 = arith.constant 0 : i32
    %dma_wait3A_28 = tpu.memref_slice %arg7[%dma_wait3A, %dma_wait3A_27] : memref<2x2048xf32, #tpu.memory_space<vmem>> -> memref<1x2048xf32, #tpu.memory_space<vmem>>
    %dma_wait3A_29 = tpu.memref_squeeze %dma_wait3A_28 : memref<1x2048xf32, #tpu.memory_space<vmem>> -> memref<2048xf32, #tpu.memory_space<vmem>>
    %dma_wait3A_30 = arith.constant 0 : i32
    %dma_wait3A_31 = tpu.memref_slice %arg4[%dma_wait3A_25, %dma_wait3A_26, %dma_wait3A_30] : memref<26x32x16384xf32, #tpu.memory_space<hbm>> -> memref<1x1x2048xf32, #tpu.memory_space<hbm>>
    %dma_wait3A_32 = tpu.memref_squeeze %dma_wait3A_31 : memref<1x1x2048xf32, #tpu.memory_space<hbm>> -> memref<2048xf32, #tpu.memory_space<hbm>>
    %dma_wait3A_33 = arith.constant 0 : i32
    %dma_wait3A_34 = tpu.memref_slice %arg4[%dma_wait3A_25, %dma_wait3A_26, %dma_wait3A_33] : memref<26x32x16384xf32, #tpu.memory_space<hbm>> -> memref<1x1x2048xf32, #tpu.memory_space<hbm>>
    %dma_wait3A_35 = tpu.memref_squeeze %dma_wait3A_34 : memref<1x1x2048xf32, #tpu.memory_space<hbm>> -> memref<2048xf32, #tpu.memory_space<hbm>>
    %dma_wait3A_36 = arith.constant 0 : i32
    %dma_wait3A_37 = tpu.memref_slice %arg7[%dma_wait3A, %dma_wait3A_36] : memref<2x2048xf32, #tpu.memory_space<vmem>> -> memref<1x2048xf32, #tpu.memory_space<vmem>>
    %dma_wait3A_38 = tpu.memref_squeeze %dma_wait3A_37 : memref<1x2048xf32, #tpu.memory_space<vmem>> -> memref<2048xf32, #tpu.memory_space<vmem>>
    tpu.wait_dma2 semaphore(%arg10 : memref<!tpu.dma_semaphore, #tpu.memory_space<semaphore_mem>>) src(%dma_wait3A_38 : memref<2048xf32, #tpu.memory_space<vmem>>) dst(%dma_wait3A_35 : memref<2048xf32, #tpu.memory_space<hbm>>)
    %dma_wait3A_39 = arith.constant 1 : i32
    %dma_wait3A_40 = arith.constant 0 : i32
    %dma_wait3A_41 = arith.constant 0 : i32
    %dma_wait3A_42 = arith.constant 0 : i32
    %dma_wait3A_43 = tpu.memref_slice %arg7[%dma_wait3A_39, %dma_wait3A_42] : memref<2x2048xf32, #tpu.memory_space<vmem>> -> memref<1x2048xf32, #tpu.memory_space<vmem>>
    %dma_wait3A_44 = tpu.memref_squeeze %dma_wait3A_43 : memref<1x2048xf32, #tpu.memory_space<vmem>> -> memref<2048xf32, #tpu.memory_space<vmem>>
    %dma_wait3A_45 = arith.constant 0 : i32
    %dma_wait3A_46 = tpu.memref_slice %arg4[%dma_wait3A_40, %dma_wait3A_41, %dma_wait3A_45] : memref<26x32x16384xf32, #tpu.memory_space<hbm>> -> memref<1x1x2048xf32, #tpu.memory_space<hbm>>
    %dma_wait3A_47 = tpu.memref_squeeze %dma_wait3A_46 : memref<1x1x2048xf32, #tpu.memory_space<hbm>> -> memref<2048xf32, #tpu.memory_space<hbm>>
    %dma_wait3A_48 = arith.constant 0 : i32
    %dma_wait3A_49 = tpu.memref_slice %arg4[%dma_wait3A_40, %dma_wait3A_41, %dma_wait3A_48] : memref<26x32x16384xf32, #tpu.memory_space<hbm>> -> memref<1x1x2048xf32, #tpu.memory_space<hbm>>
    %dma_wait3A_50 = tpu.memref_squeeze %dma_wait3A_49 : memref<1x1x2048xf32, #tpu.memory_space<hbm>> -> memref<2048xf32, #tpu.memory_space<hbm>>
    %dma_wait3A_51 = arith.constant 0 : i32
    %dma_wait3A_52 = tpu.memref_slice %arg7[%dma_wait3A_39, %dma_wait3A_51] : memref<2x2048xf32, #tpu.memory_space<vmem>> -> memref<1x2048xf32, #tpu.memory_space<vmem>>
    %dma_wait3A_53 = tpu.memref_squeeze %dma_wait3A_52 : memref<1x2048xf32, #tpu.memory_space<vmem>> -> memref<2048xf32, #tpu.memory_space<vmem>>
    tpu.wait_dma2 semaphore(%arg10 : memref<!tpu.dma_semaphore, #tpu.memory_space<semaphore_mem>>) src(%dma_wait3A_53 : memref<2048xf32, #tpu.memory_space<vmem>>) dst(%dma_wait3A_50 : memref<2048xf32, #tpu.memory_space<hbm>>)
    return
  }
}

</mosaic_0001>

<sc_bundles>
// kernel: kernel.3.cloned.1.call-start
scs
__scs_entry_jumppad:
0x0: {  	(pc) =	sbr.rel $0x88, $3  }
0x1: {  	(tag) =	ssettag $0x0;
	lr =	simm.s32 $0x1  }
0x2: {  	[smem:$0x3F9F] =	sst lr;
	_ =	strace $0xD0000000  }
0x3: {  	_ = 	snop  }
0x4: {  	_ = 	snop  }
0x5: {  	_ = 	snop  }
0x6: {  	_ = 	snop  }
0x7: {  	_ = 	snop  }
__scs_overlays_trampoline_lowered:
0x8: {  	[smem:$0x3FAE] =	sst s0  }
0x9: {  	[smem:$0x3FAF] =	sst s1  }
0xa: {  	[smem:$0x3FB0] =	sst s2  }
0xb: {  	[smem:$0x3FB1] =	sst s3  }
0xc: {  	[smem:$0x3FB2] =	sst s4  }
0xd: {  	[smem:$0x3FB3] =	sst s5  }
0xe: {  	[smem:$0x3FB4] =	sst s6  }
0xf: {  	[smem:$0x3FB5] =	sst s7  }
0x10: {  	[smem:$0x3FB6] =	sst s8  }
0x11: {  	[smem:$0x3FB7] =	sst s9;
	s0 =	simm.s32 @!p0 $0x0  }
0x12: {  	s1 =	sld [smem:$0x3F9D];
	s0 =	simm.s32 @p0 $0x1  }
0x13: {  	[smem:$0x3FB8] =	sst s0;
	s0 =	simm.s32 @!p1 $0x0  }
0x14: {  	s2 =	sld [smem:$0x3F9C];
	s0 =	simm.s32 @p1 $0x1  }
0x15: {  	[smem:$0x3FB9] =	sst s0;
	s0 =	simm.s32 @!p2 $0x0  }
0x16: {  	s3 =	sld [smem:$0x3FDB];
	s0 =	simm.s32 @p2 $0x1  }
0x17: {  	s4 =	simm.s32 $0x1BF5;
	[smem:$0x3FBB] =	sst s0  }
0x18: {  	s0 =	sld [smem:$0x3F9E];
	_ =	swait.ge [sflag:s4], $0x0  }
0x19: {  	s7 =	sld [smem:$0x3F9F]  }
0x1a: {  	s8 =	sadd.s32 $0xFFFFE003, lr  }
0x1b: {  	s9 =	sadd.s32 $0xFFFFFEF7, lr;
	s5 =	simm.s32 $0xFFFFFFFF;
	p2 =	slt.u32 s8, $0xFFFFF086  }
0x1c: {  	p1 =	slt.u32 s9, $0xF7A;
	s5 =	simm.s32 @!p2 $0x0  }
0x1d: {  	s5 =	simm.s32 @p1 $0x1;
	p0 =	seq.s32 s7, s2  }
0x1e: {  	s7 =	smul.u32 @!p0 $0xF7A, s2;
	p2 =	seq.s32 @!p0 s5, $0x0  }
0x1f: {  	s9 =	smul.u32 $0xF7A, s1;
	s8 =	simm.s32 @!p0 $0x1BF5;
	p2 =	por !p2, p0  }
0x20: {  	[sflag:s8] =	ssyncset.s32 @!p0 $0xFFFFF086;
	s6 =	sadd.s32 @!p0 s3, s7;
	s7 =	simm.s32 @!p0 $0x108  }
0x21: {  	s3 =	sadd.s32 s3, s9;
	s6 =	sadd.s32 @!p0 $0x88, s6;
	s7 =	simm.s32 @p2 $0x1082  }
0x22: {  	[simem:s7], [sflag:s8] =	dma.local @!p0 [hbm:s6], $0xF7A  }
0x23: {  	s9 =	sor.u32 $0xD0000000, s2;
	s6 =	simm.s32 $0x108;
	_ =	swait.ge @!p0 [sflag:s8], $0x0  }
0x24: {  	s3 =	sadd.s32 $0x88, s3;
	s6 =	simm.s32 @!p1 $0x1082;
	[sflag:s4] =	ssyncset.s32 $0xFFFFF086  }
0x25: {  	[simem:s6], [sflag:s4] =	dma.local [hbm:s3], $0xF7A  }
0x26: {  	[smem:$0x3F9F] =	sst s1;
	(tag) =	ssettag s2;
	_ =	strace s9  }
0x27: {  	s1 =	sld [smem:$0x3FAF]  }
0x28: {  	s2 =	sld [smem:$0x3FB0]  }
0x29: {  	s4 =	sld [smem:$0x3FB2]  }
0x2a: {  	p0 =	seq.s32 s5, $0x0;
	s5 =	sld [smem:$0x3FB3]  }
0x2b: {  	s6 =	sld [smem:$0x3FB4]  }
0x2c: {  	s7 =	sld [smem:$0x3FB5]  }
0x2d: {  	s3 =	simm.s32 $0x108;
	s8 =	sld [smem:$0x3FB6]  }
0x2e: {  	s3 =	simm.s32 @!p0 $0x1082;
	s9 =	sld [smem:$0x3FB7]  }
0x2f: {  	lr =	sadd.s32 s0, s3;
	s0 =	sld [smem:$0x3FAE]  }
0x30: {  	s3 =	sld [smem:$0x3FB1]  }
0x31: {  	[smem:$0x3FBA] =	sst s10  }
0x32: {  	s10 =	sld [smem:$0x3FB8];
	_ =	sdelay $0x3  }
0x33: {  	p0 =	seq.s32 s10, $0x1;
	s10 =	sld [smem:$0x3FBA];
	_ =	sdelay $0x3  }
0x34: {  	[smem:$0x3FBA] =	sst s10  }
0x35: {  	s10 =	sld [smem:$0x3FB9];
	_ =	sdelay $0x3  }
0x36: {  	p1 =	seq.s32 s10, $0x1;
	s10 =	sld [smem:$0x3FBA];
	_ =	sdelay $0x3  }
0x37: {  	[smem:$0x3FBA] =	sst s10  }
0x38: {  	s10 =	sld [smem:$0x3FBB]  }
0x39: {  	_ = 	snop;
	(pc) =	sbr.ind lr, $3  }
0x3a: {  	_ = 	snop  }
0x3b: {  	_ = 	snop  }
0x3c: {  	p2 =	seq.s32 s10, $0x1;
	s10 =	sld [smem:$0x3FBA]  }
0x3d: {  	_ =	shalt  }
0x3e: {  	_ =	shalt  }
0x3f: {  	_ =	shalt  }
0x40: {  	_ =	shalt  }
0x41: {  	_ =	shalt  }
0x42: {  	_ =	shalt  }
0x43: {  	_ =	shalt  }
0x44: {  	_ =	shalt  }
0x45: {  	_ =	shalt  }
0x46: {  	_ =	shalt  }
0x47: {  	_ =	shalt  }
0x48: {  	_ =	shalt  }
0x49: {  	_ =	shalt  }
0x4a: {  	_ =	shalt  }
0x4b: {  	_ =	shalt  }
0x4c: {  	_ =	shalt  }
0x4d: {  	_ =	shalt  }
0x4e: {  	_ =	shalt  }
0x4f: {  	_ =	shalt  }
0x50: {  	_ =	shalt  }
0x51: {  	_ =	shalt  }
0x52: {  	_ =	shalt  }
0x53: {  	_ =	shalt  }
0x54: {  	_ =	shalt  }
0x55: {  	_ =	shalt  }
0x56: {  	_ =	shalt  }
0x57: {  	_ =	shalt  }
0x58: {  	_ =	shalt  }
0x59: {  	_ =	shalt  }
0x5a: {  	_ =	shalt  }
0x5b: {  	_ =	shalt  }
0x5c: {  	_ =	shalt  }
0x5d: {  	_ =	shalt  }
0x5e: {  	_ =	shalt  }
0x5f: {  	_ =	shalt  }
0x60: {  	_ =	shalt  }
0x61: {  	_ =	shalt  }
0x62: {  	_ =	shalt  }
0x63: {  	_ =	shalt  }
0x64: {  	_ =	shalt  }
0x65: {  	_ =	shalt  }
0x66: {  	_ =	shalt  }
0x67: {  	_ =	shalt  }
0x68: {  	_ =	shalt  }
0x69: {  	_ =	shalt  }
0x6a: {  	_ =	shalt  }
0x6b: {  	_ =	shalt  }
0x6c: {  	_ =	shalt  }
0x6d: {  	_ =	shalt  }
0x6e: {  	_ =	shalt  }
0x6f: {  	_ =	shalt  }
0x70: {  	_ =	shalt  }
0x71: {  	_ =	shalt  }
0x72: {  	_ =	shalt  }
0x73: {  	_ =	shalt  }
0x74: {  	_ =	shalt  }
0x75: {  	_ =	shalt  }
0x76: {  	_ =	shalt  }
0x77: {  	_ =	shalt  }
0x78: {  	_ =	shalt  }
0x79: {  	_ =	shalt  }
0x7a: {  	_ =	shalt  }
0x7b: {  	_ =	shalt  }
0x7c: {  	_ =	shalt  }
0x7d: {  	_ =	shalt  }
0x7e: {  	_ =	shalt  }
0x7f: {  	_ =	shalt  }
0x80: {  	_ =	shalt  }
0x81: {  	_ =	shalt  }
0x82: {  	_ =	shalt  }
0x83: {  	_ =	shalt  }
0x84: {  	_ =	shalt  }
0x85: {  	_ =	shalt  }
0x86: {  	_ =	shalt  }
0x87: {  	_ =	shalt  }
.Lfunc_end0:
.L_simem_size_0:
called_computation_lowered:
.L_overlay_start_0:
0x88: {  	s2 =	sld [smem:$0x3FD9]  }
0x89: {  	s3 =	sld [smem:$0x3FFE];
	_ =	sdelay $0x1  }
0x8a: {  	s1 =	srdreg.scid  }
0x8b: {  	s0 =	sand.u32 $0x1, s1  }
0x8c: {  	s18 =	sshll.u32 s0, $0xA;
	s2 =	sadd.s32 s3, s2  }
0x8d: {  	s2 =	sadd.s32 s2, s18  }
0x8e: {  	[smem:$0x3FC6] =	sst s2  }
0x8f: {  	_ = 	snop  }
0x90: {  	s2 =	sld [smem:$0x3FC9]  }
0x91: {  	s19 =	sld [smem:$0x3FC8]  }
0x92: {  	s4 =	sld [smem:$0x3FD0];
	(tm) =	ssettm $0x1  }
0x93: {  	s5 =	sld [smem:$0x3FFB];
	_ =	sdelay $0x3  }
0x94: {  	_ =	strace s5  }
0x95: {  	s5 =	sld [smem:$0x3FFC];
	_ =	sdelay $0x3  }
0x96: {  	_ =	strace s5  }
0x97: {  	s5 =	sld [smem:$0x3FFD];
	_ =	sdelay $0x3  }
0x98: {  	_ =	strace s5  }
0x99: {  	_ =	strace $0x8FFFFFFF  }
0x9a: {  	s20 =	sld [smem:$0x3FDB];
	_ =	sdelay $0x1  }
0x9b: {  	s6 =	simm.s32 $_scs_section_size  }
0x9c: {  	s7 =	simm.s32 $_size__tile_overlayer_lowered;
	s8 =	simm.s32 $_tile_overlayer_lowered  }
0x9d: {  	s23 =	simm.s32 $0x1BFF;
	s22 =	sshll.u32 s8, $0x1;
	s5 =	sadd.s32 s6, s20  }
0x9e: {  	s9 =	simm.s32 $0x0;
	s21 =	sshll.u32 s7, $0x1;
	s7 =	sadd.s32 s22, s5  }
0x9f: {  	[timem:s9], [sflag:s23] =	dma.local [hbm:s7], s21  }
0xa0: {  	_ =	swait.ge [sflag:s23], s21  }
0xa1: {  	s6 =	ssub.s32 $0x0, s21;
	[sflag:s23] =	ssyncset.done $0x0  }
0xa2: {  	[sflag:s23] =	ssyncadd.s32 s6;
	_ =	sdelay $0x1  }
0xa3: {  	s24 =	simm.s32 $0x1B8B  }
0xa4: {  	_ =	swait.ge [sflag:s24], $0x1  }
0xa5: {  	[sflag:s24] =	ssyncset.done $0x0  }
0xa6: {  	s25 =	simm.s32 $0x1B8E;
	[sflag:s24] =	ssyncadd.s32 $0xFFFFFFFF  }
0xa7: {  	s26 =	simm.s32 $execute0_lowered;
	[smem:$0x3FD2] =	sst s25  }
0xa8: {  	s6 =	sshll.u32 s26, $0x1;
	_ =	strace $0x80000046;
	[dreg:$0x1] =	wrdreg $0xFFFFFFFF  }
0xa9: {  	s28 =	simm.s32 $_size_execute0_lowered;
	s5 =	sadd.s32 s5, s6;
	[dreg:$0x0] =	wrdreg $0x0  }
0xaa: {  	s6 =	sshll.u32 s28, $0x1;
	[dreg:$0x2] =	wrdreg s5  }
0xab: {  	[dreg:$0x3] =	wrdreg s6  }
0xac: {  	[dreg:$0x4] =	wrdreg $0xC0  }
0xad: {  	_ =	task [dreg:s9], $0x5FFFF  }
0xae: {  	[dreg:$0x1] =	wrdreg $0xFFFFFFFF  }
0xaf: {  	[dreg:$0x0] =	wrdreg $0x60  }
0xb0: {  	[dreg:$0x2] =	wrdreg s2  }
0xb1: {  	[dreg:$0x3] =	wrdreg s19  }
0xb2: {  	[dreg:$0x4] =	wrdreg s4  }
0xb3: {  	[dreg:$0x5] =	wrdreg $0x9  }
0xb4: {  	_ =	task.clear_ibuf [dreg:s9], $0x6FFFF;
	_ =	strace $0x90000046  }
0xb5: {  	s29 =	simm.s32 $0x9;
	_ =	strace $0x80000048  }
0xb6: {  	_ =	swait.ge [sflag:s29], $0x1  }
0xb7: {  	[sflag:s29] =	ssyncadd.s32 $0xFFFFFFFF  }
0xb8: {  	_ =	strace $0x90000048  }
0xb9: {  	_ =	sfence  }
0xba: {  	s30 =	sld [smem:$0x0];
	_ =	sdelay $0x2  }
0xbb: {  	s31 =	sshll.u32 s1, $0xD;
	s1 =	sshrl.u32 s1, $0x2  }
0xbc: {  	s3 =	sand.u32 $0x4000, s31;
	s1 =	sadd.s32 s1, s30  }
0xbd: {  	s0 =	sor.u32 s3, s0;
	s1 =	sshll.u32 s1, $0x11  }
0xbe: {  	s0 =	sor.u32 s1, s0  }
0xbf: {  	s0 =	sadd.s32 $0x8F2B, s0  }
0xc0: {  	[sflag:s0] =	ssyncadd.remote.s32 $0x1  }
0xc1: {  	_ =	sfence.sel $0xFFFF  }
0xc2: {  	[dreg:$0x0] =	wrdreg $0xFFFFFFFF;
	(pc) =	sbr.abs _section_cstart, $3  }
0xc3: {  	[dreg:$0x1] =	wrdreg $0xFFFFFFFF  }
0xc4: {  	_ =	task.clear_ibuf [dreg:s9], $0x2FFFF;
	_ =	strace $0x9FFFFFFF  }
0xc5: {  	(tm) =	ssettm $0x7FFFFFFF  }
tec
execute0_lowered:
.L_overlay_start_1:
0x0: {  	(tag) =	ssettag $0x1  }
0x1: {  	s7 =	rddreg [dreg:$0x0]  }
0x2: {  	s8 =	rddreg [dreg:$0x1]  }
0x3: {  	s4 =	rddreg [dreg:$0x2]  }
0x4: {  	s0 =	srdreg.scid;
	s2 =	stileid.u32  }
0x5: {  	s0 =	sand.u32 $0x1, s0;
	s1 =	sshrl.u32 s2, $0x2;
	s2 =	sshll.u32 s2, $0x8  }
0x6: {  	s5 =	simm.s32 $0x0;
	s6 =	sshll.u32 s0, $0x7;
	s2 =	sand.u32 $0x300, s2  }
0x7: {  	[smem:$0x7FF] =	sst s5;
	s6 =	sor.u32 s6, s2  }
0x8: {  	s13 =	sadd.s32 $0x800, s7;
	s3 =	smul.u32 $0xC3800, s1;
	[dreg:$0x4] =	wrdreg s6  }
0x9: {  	s1 =	sshll.u32 s1, $0x11;
	_ =	strace $0x80000047;
	[dreg:$0x6] =	wrdreg s13  }
0xa: {  	s15 =	sadd.s32 $0x80, s7;
	[dreg:$0x7] =	wrdreg s1  }
0xb: {  	s16 =	sadd.s32 $0x100, s7;
	[dreg:$0xa] =	wrdreg s15  }
0xc: {  	s17 =	sadd.s32 $0x180, s7;
	[dreg:$0xb] =	wrdreg s16  }
0xd: {  	s18 =	sadd.s32 $0x200, s7;
	[dreg:$0xc] =	wrdreg s17  }
0xe: {  	s19 =	sadd.s32 $0x280, s7;
	[dreg:$0xd] =	wrdreg s18  }
0xf: {  	s29 =	simm.s32 $0x2;
	s20 =	sadd.s32 $0x300, s7;
	[dreg:$0xe] =	wrdreg s19  }
0x10: {  	s21 =	sadd.s32 $0x380, s7;
	s22 =	sadd.s32 $0x400, s7;
	[dreg:$0xf] =	wrdreg s20  }
0x11: {  	s23 =	sadd.s32 $0x480, s7;
	s24 =	sadd.s32 $0x500, s7;
	[dreg:$0x10] =	wrdreg s21  }
0x12: {  	s25 =	sadd.s32 $0x580, s7;
	s26 =	sadd.s32 $0x600, s7;
	[dreg:$0x11] =	wrdreg s22  }
0x13: {  	s28 =	sadd.s32 $0x680, s7;
	s30 =	sadd.s32 $0x700, s7;
	[dreg:$0x12] =	wrdreg s23  }
0x14: {  	s31 =	sadd.s32 $0x780, s7;
	s0 =	ssub.s32 $0x2, s0;
	[dreg:$0x13] =	wrdreg s24  }
0x15: {  	s7 =	simm.s32 $0x19780;
	s11 =	sshrl.u32 s0, $0x1;
	[dreg:$0x14] =	wrdreg s25  }
0x16: {  	s3 =	sor.u32 s3, s6;
	s0 =	ssub.s32 s0, s11;
	[dreg:$0x15] =	wrdreg s26  }
0x17: {  	s11 =	simm.s32 $0x19880;
	s12 =	sshrl.u32 s3, $0x3;
	[dreg:$0x16] =	wrdreg s28  }
0x18: {  	s14 =	sadd.s32 $0x30E000, s3;
	s0 =	smax.u32 s0, $0x1;
	[dreg:$0x17] =	wrdreg s30  }
0x19: {  	[dreg:$0x18] =	wrdreg s31;
	s13 =	simm.s32 $0x19A80;
	s15 =	simm.s32 $0x19C80  }
0x1a: {  	s16 =	simm.s32 $0x19D80;
	s17 =	simm.s32 $0x19E80;
	s18 =	simm.s32 $0x19F80  }
0x1b: {  	s19 =	simm.s32 $0x1A080;
	s20 =	simm.s32 $0x1A180;
	s21 =	simm.s32 $0x1A280  }
0x1c: {  	s22 =	simm.s32 $0x1A380;
	s23 =	simm.s32 $0x1A480;
	s24 =	simm.s32 $0x1A580  }
0x1d: {  	s25 =	simm.s32 $0x1A680;
	s26 =	simm.s32 $0x3;
	[dreg:$0x8] =	wrdreg s14  }
0x1e: {  	s1 =	simm.s32 $0x0;
	s2 =	sadd.s32 s8, s12;
	[dreg:$0x9] =	wrdreg s0  }
0x1f: {  	s12 =	simm.s32 $0x19980;
	s14 =	simm.s32 $0x19B80;
	[dreg:$0x5] =	wrdreg s2  }
.LBB2_1:
0x20: {  	[dreg:$0x19] =	wrdreg s1  }
0x21: {  	s0 =	rddreg [dreg:$0x0];
	s28 =	simm.s32 $0x18700  }
0x22: {  	[tilespmem:s28], [sflag:$0x2] =	stream.linear.gather [hbm4b:s0+s5], $0x80, $0x38;
	[tilespmem:$0x1A700] =	vst v63  }
0x23: {  	s30 =	rddreg [dreg:$0xa];
	s31 =	simm.s32 $0x18800  }
0x24: {  	[tilespmem:s31], [sflag:$0x2] =	stream.linear.gather [hbm4b:s30+s5], $0x80, $0x38;
	[tilespmem:$0x1A700] =	vst v63  }
0x25: {  	s1 =	rddreg [dreg:$0xb];
	s2 =	simm.s32 $0x18900  }
0x26: {  	[tilespmem:s2], [sflag:$0x2] =	stream.linear.gather [hbm4b:s1+s5], $0x80, $0x38;
	[tilespmem:$0x1A700] =	vst v63  }
0x27: {  	s3 =	rddreg [dreg:$0xc];
	s6 =	simm.s32 $0x18A00  }
0x28: {  	[tilespmem:s6], [sflag:$0x2] =	stream.linear.gather [hbm4b:s3+s5], $0x80, $0x38;
	[tilespmem:$0x1A700] =	vst v63  }
0x29: {  	s8 =	rddreg [dreg:$0xd];
	s9 =	simm.s32 $0x18B00  }
0x2a: {  	[tilespmem:s9], [sflag:$0x2] =	stream.linear.gather [hbm4b:s8+s5], $0x80, $0x38;
	[tilespmem:$0x1A700] =	vst v63  }
0x2b: {  	s10 =	rddreg [dreg:$0xe];
	s28 =	simm.s32 $0x18C00  }
0x2c: {  	[tilespmem:s28], [sflag:$0x2] =	stream.linear.gather [hbm4b:s10+s5], $0x80, $0x38;
	[tilespmem:$0x1A700] =	vst v63  }
0x2d: {  	s30 =	rddreg [dreg:$0xf];
	s31 =	simm.s32 $0x18D00  }
0x2e: {  	[tilespmem:s31], [sflag:$0x2] =	stream.linear.gather [hbm4b:s30+s5], $0x80, $0x38;
	[tilespmem:$0x1A700] =	vst v63  }
0x2f: {  	s1 =	rddreg [dreg:$0x10];
	s2 =	simm.s32 $0x18E00  }
0x30: {  	[tilespmem:s2], [sflag:$0x2] =	stream.linear.gather [hbm4b:s1+s5], $0x80, $0x38;
	[tilespmem:$0x1A700] =	vst v63  }
0x31: {  	s3 =	rddreg [dreg:$0x11];
	s6 =	simm.s32 $0x18F00  }
0x32: {  	[tilespmem:s6], [sflag:$0x2] =	stream.linear.gather [hbm4b:s3+s5], $0x80, $0x38;
	[tilespmem:$0x1A700] =	vst v63  }
0x33: {  	s8 =	rddreg [dreg:$0x12];
	s9 =	simm.s32 $0x19000  }
0x34: {  	[tilespmem:s9], [sflag:$0x2] =	stream.linear.gather [hbm4b:s8+s5], $0x80, $0x38;
	[tilespmem:$0x1A700] =	vst v63  }
0x35: {  	s10 =	rddreg [dreg:$0x13];
	s28 =	simm.s32 $0x19100  }
0x36: {  	[tilespmem:s28], [sflag:$0x2] =	stream.linear.gather [hbm4b:s10+s5], $0x80, $0x38;
	[tilespmem:$0x1A700] =	vst v63  }
0x37: {  	s30 =	rddreg [dreg:$0x14];
	s31 =	simm.s32 $0x19200  }
0x38: {  	[tilespmem:s31], [sflag:$0x2] =	stream.linear.gather [hbm4b:s30+s5], $0x80, $0x38;
	[tilespmem:$0x1A700] =	vst v63  }
0x39: {  	s1 =	rddreg [dreg:$0x15];
	s2 =	simm.s32 $0x19300  }
0x3a: {  	[tilespmem:s2], [sflag:$0x2] =	stream.linear.gather [hbm4b:s1+s5], $0x80, $0x38;
	[tilespmem:$0x1A700] =	vst v63  }
0x3b: {  	s3 =	rddreg [dreg:$0x16];
	s6 =	simm.s32 $0x19400  }
0x3c: {  	[tilespmem:s6], [sflag:$0x2] =	stream.linear.gather [hbm4b:s3+s5], $0x80, $0x38;
	[tilespmem:$0x1A700] =	vst v63  }
0x3d: {  	s8 =	rddreg [dreg:$0x17];
	s9 =	simm.s32 $0x19500  }
0x3e: {  	[tilespmem:s9], [sflag:$0x2] =	stream.linear.gather [hbm4b:s8+s5], $0x80, $0x38;
	[tilespmem:$0x1A700] =	vst v63  }
0x3f: {  	s10 =	rddreg [dreg:$0x18];
	s28 =	simm.s32 $0x19600  }
0x40: {  	[tilespmem:s28], [sflag:$0x2] =	stream.linear.gather [hbm4b:s10+s5], $0x80, $0x38;
	[tilespmem:$0x1A700] =	vst v63  }
0x41: {  	s30 =	rddreg [dreg:$0x5];
	s31 =	simm.s32 $0x80;
	s2 =	simm.s32 $0x400  }
0x42: {  	[tilespmem:s5], [sflag:$0x1] =	stream.strided.gather [hbm4b:s30+s31], $0x18700, s2, s31, $0x38;
	[tilespmem:$0x1A700] =	vst v63  }
0x43: {  	s2 =	simm.s32 $0x0  }
.LBB2_2:
0x44: {  	s0 =	simm.s32 $0x1;
	s3 =	sshll.u32 s2, $0x3  }
0x45: {  	s1 =	sshll.u32 s2, $0xB;
	_ =	swait.ge [sflag:s0], $0x18700;
	[dreg:$0x1a] =	wrdreg s2  }
0x46: {  	s6 =	sshll.u32 s2, $0x4;
	s8 =	smul.u32 $0x30E000, s2;
	s30 =	rddreg [dreg:$0x6]  }
0x47: {  	s9 =	sshll.u32 s2, $0x13;
	p0 =	seq.s32 s2, $0x19;
	s31 =	rddreg [dreg:$0x7]  }
0x48: {  	s1 =	sand.u32 $0xC000, s1;
	[sflag:s0] =	ssyncset.done $0x0;
	s10 =	rddreg [dreg:$0x8]  }
0x49: {  	s6 =	sand.u32 $0x70, s6;
	s28 =	rddreg [dreg:$0x4];
	[sflag:s0] =	ssyncadd.s32 $0xFFFE7900  }
0x4a: {  	s1 =	sadd.s32 s1, s30;
	s9 =	sor.u32 s9, s31;
	s10 =	sadd.s32 s8, s10  }
0x4b: {  	s6 =	sadd.s32 s6, s1;
	s30 =	sshrl.u32 s10, $0x3;
	s31 =	rddreg [dreg:$0x1]  }
0x4c: {  	s8 =	sor.u32 s28, s9;
	s10 =	simm.s32 $0x0;
	s9 =	sadd.s32 s31, s30  }
.LBB2_3:
0x4d: {  	_ =	swait.ge [sflag:s29], $0x800  }
0x4e: {  	s1 =	sshll.u32 s10, $0xC;
	[sflag:s29] =	ssyncset.done $0x0  }
0x4f: {  	s0 =	simm.s32 $0x18780;
	s1 =	sadd.s32 s1, s6;
	[sflag:s29] =	ssyncadd.s32 $0xFFFFF800  }
0x50: {  	[tilespmem:s0], [sflag:$0x2] =	stream.linear.gather [hbm4b:s1+s5], $0x80, $0x38;
	[tilespmem:$0x1A700] =	vst v63  }
0x51: {  	s2 =	simm.s32 $0x18880;
	s28 =	sadd.s32 $0x80, s1  }
0x52: {  	[tilespmem:s2], [sflag:$0x2] =	stream.linear.gather [hbm4b:s28+s5], $0x80, $0x38;
	[tilespmem:$0x1A700] =	vst v63  }
0x53: {  	s28 =	sadd.s32 $0x100, s1;
	s2 =	simm.s32 $0x18980  }
0x54: {  	[tilespmem:s2], [sflag:$0x2] =	stream.linear.gather [hbm4b:s28+s5], $0x80, $0x38;
	[tilespmem:$0x1A700] =	vst v63  }
0x55: {  	s28 =	sadd.s32 $0x180, s1;
	s2 =	simm.s32 $0x18A80  }
0x56: {  	[tilespmem:s2], [sflag:$0x2] =	stream.linear.gather [hbm4b:s28+s5], $0x80, $0x38;
	[tilespmem:$0x1A700] =	vst v63  }
0x57: {  	s28 =	sadd.s32 $0x200, s1;
	s2 =	simm.s32 $0x18B80  }
0x58: {  	[tilespmem:s2], [sflag:$0x2] =	stream.linear.gather [hbm4b:s28+s5], $0x80, $0x38;
	[tilespmem:$0x1A700] =	vst v63  }
0x59: {  	s28 =	sadd.s32 $0x280, s1;
	s2 =	simm.s32 $0x18C80  }
0x5a: {  	[tilespmem:s2], [sflag:$0x2] =	stream.linear.gather [hbm4b:s28+s5], $0x80, $0x38;
	[tilespmem:$0x1A700] =	vst v63  }
0x5b: {  	s28 =	sadd.s32 $0x300, s1;
	s2 =	simm.s32 $0x18D80  }
0x5c: {  	[tilespmem:s2], [sflag:$0x2] =	stream.linear.gather [hbm4b:s28+s5], $0x80, $0x38;
	[tilespmem:$0x1A700] =	vst v63  }
0x5d: {  	s28 =	sadd.s32 $0x380, s1;
	s2 =	simm.s32 $0x18E80  }
0x5e: {  	[tilespmem:s2], [sflag:$0x2] =	stream.linear.gather [hbm4b:s28+s5], $0x80, $0x38;
	[tilespmem:$0x1A700] =	vst v63  }
0x5f: {  	s28 =	sadd.s32 $0x400, s1;
	s2 =	simm.s32 $0x18F80  }
0x60: {  	[tilespmem:s2], [sflag:$0x2] =	stream.linear.gather [hbm4b:s28+s5], $0x80, $0x38;
	[tilespmem:$0x1A700] =	vst v63  }
0x61: {  	s28 =	sadd.s32 $0x480, s1;
	s2 =	simm.s32 $0x19080  }
0x62: {  	[tilespmem:s2], [sflag:$0x2] =	stream.linear.gather [hbm4b:s28+s5], $0x80, $0x38;
	[tilespmem:$0x1A700] =	vst v63  }
0x63: {  	s28 =	sadd.s32 $0x500, s1;
	s2 =	simm.s32 $0x19180  }
0x64: {  	[tilespmem:s2], [sflag:$0x2] =	stream.linear.gather [hbm4b:s28+s5], $0x80, $0x38;
	[tilespmem:$0x1A700] =	vst v63  }
0x65: {  	s28 =	sadd.s32 $0x580, s1;
	s2 =	simm.s32 $0x19280  }
0x66: {  	[tilespmem:s2], [sflag:$0x2] =	stream.linear.gather [hbm4b:s28+s5], $0x80, $0x38;
	[tilespmem:$0x1A700] =	vst v63  }
0x67: {  	s28 =	sadd.s32 $0x600, s1;
	s2 =	simm.s32 $0x19380  }
0x68: {  	[tilespmem:s2], [sflag:$0x2] =	stream.linear.gather [hbm4b:s28+s5], $0x80, $0x38;
	[tilespmem:$0x1A700] =	vst v63  }
0x69: {  	s28 =	sadd.s32 $0x680, s1;
	s2 =	simm.s32 $0x19480  }
0x6a: {  	[tilespmem:s2], [sflag:$0x2] =	stream.linear.gather [hbm4b:s28+s5], $0x80, $0x38;
	[tilespmem:$0x1A700] =	vst v63  }
0x6b: {  	s30 =	sadd.s32 $0x700, s1;
	s28 =	sshll.u32 s10, $0x1;
	s2 =	simm.s32 $0x19580  }
0x6c: {  	[tilespmem:s2], [sflag:$0x2] =	stream.linear.gather [hbm4b:s30+s5], $0x80, $0x38;
	[tilespmem:$0x1A700] =	vst v63  }
0x6d: {  	s30 =	sor.u32 s3, s28  }
0x6e: {  	s1 =	sadd.s32 $0x780, s1;
	s2 =	simm.s32 $0x19680;
	p1 =	seq.s32 s30, $0x0  }
0x6f: {  	[tilespmem:s2], [sflag:$0x2] =	stream.linear.gather [hbm4b:s1+s5], $0x80, $0x38;
	[tilespmem:$0x1A700] =	vst v63  }
0x70: {  	s1 =	simm.s32 @!p1 $0x3  }
0x71: {  	_ =	swait.ge @!p1 [sflag:s1], $0x800  }
0x72: {  	s31 =	simm.s32 $0x18900;
	[sflag:s1] =	ssyncset.done @!p1 $0x0  }
0x73: {  	s30 =	simm.s32 $0x19900;
	[sflag:s1] =	ssyncadd.s32 @!p1 $0xFFFFF800;
	s1 =	simm.s32 $0xFFFFFFE0  }
.LBB2_4:
0x74: {  	v0 =	vld [tilespmem:s31+$0xFFFFFE00];
	_ =	sdelay $0x7  }
0x75: {  	v0 =	vld.idx.msk [tilespmem:v0+s5+$0x0], $0xffff;
	_ =	sdelay $0x4  }
0x76: {  	[tilespmem:s30+$0xFFFFFE00] =	vst v0  }
0x77: {  	v0 =	vld [tilespmem:s31+$0xFFFFFE10];
	_ =	sdelay $0x7  }
0x78: {  	v0 =	vld.idx.msk [tilespmem:v0+s5+$0x0], $0xffff;
	_ =	sdelay $0x4  }
0x79: {  	[tilespmem:s30+$0xFFFFFE10] =	vst v0  }
0x7a: {  	v0 =	vld [tilespmem:s31+$0xFFFFFE20];
	_ =	sdelay $0x7  }
0x7b: {  	v0 =	vld.idx.msk [tilespmem:v0+s5+$0x0], $0xffff;
	_ =	sdelay $0x4  }
0x7c: {  	[tilespmem:s30+$0xFFFFFE20] =	vst v0  }
0x7d: {  	v0 =	vld [tilespmem:s31+$0xFFFFFE30];
	_ =	sdelay $0x7  }
0x7e: {  	v0 =	vld.idx.msk [tilespmem:v0+s5+$0x0], $0xffff;
	_ =	sdelay $0x4  }
0x7f: {  	[tilespmem:s30+$0xFFFFFE30] =	vst v0  }
0x80: {  	v0 =	vld [tilespmem:s31+$0xFFFFFE40];
	_ =	sdelay $0x7  }
0x81: {  	v0 =	vld.idx.msk [tilespmem:v0+s5+$0x0], $0xffff;
	_ =	sdelay $0x4  }
0x82: {  	[tilespmem:s30+$0xFFFFFE40] =	vst v0  }
0x83: {  	v0 =	vld [tilespmem:s31+$0xFFFFFE50];
	_ =	sdelay $0x7  }
0x84: {  	v0 =	vld.idx.msk [tilespmem:v0+s5+$0x0], $0xffff;
	_ =	sdelay $0x4  }
0x85: {  	[tilespmem:s30+$0xFFFFFE50] =	vst v0  }
0x86: {  	v0 =	vld [tilespmem:s31+$0xFFFFFE60];
	_ =	sdelay $0x7  }
0x87: {  	v0 =	vld.idx.msk [tilespmem:v0+s5+$0x0], $0xffff;
	_ =	sdelay $0x4  }
0x88: {  	[tilespmem:s30+$0xFFFFFE60] =	vst v0  }
0x89: {  	v0 =	vld [tilespmem:s31+$0xFFFFFE70];
	_ =	sdelay $0x7  }
0x8a: {  	v0 =	vld.idx.msk [tilespmem:v0+s5+$0x0], $0xffff;
	_ =	sdelay $0x4  }
0x8b: {  	[tilespmem:s30+$0xFFFFFE70] =	vst v0  }
0x8c: {  	v0 =	vld [tilespmem:s31+$0xFFFFFF00];
	_ =	sdelay $0x7  }
0x8d: {  	v0 =	vld.idx.msk [tilespmem:v0+s5+$0x0], $0xffff;
	_ =	sdelay $0x4  }
0x8e: {  	[tilespmem:s30+$0xFFFFFF00] =	vst v0  }
0x8f: {  	v0 =	vld [tilespmem:s31+$0xFFFFFF10];
	_ =	sdelay $0x7  }
0x90: {  	v0 =	vld.idx.msk [tilespmem:v0+s5+$0x0], $0xffff;
	_ =	sdelay $0x4  }
0x91: {  	[tilespmem:s30+$0xFFFFFF10] =	vst v0  }
0x92: {  	v0 =	vld [tilespmem:s31+$0xFFFFFF20];
	_ =	sdelay $0x7  }
0x93: {  	v0 =	vld.idx.msk [tilespmem:v0+s5+$0x0], $0xffff;
	_ =	sdelay $0x4  }
0x94: {  	[tilespmem:s30+$0xFFFFFF20] =	vst v0  }
0x95: {  	v0 =	vld [tilespmem:s31+$0xFFFFFF30];
	_ =	sdelay $0x7  }
0x96: {  	v0 =	vld.idx.msk [tilespmem:v0+s5+$0x0], $0xffff;
	_ =	sdelay $0x4  }
0x97: {  	[tilespmem:s30+$0xFFFFFF30] =	vst v0  }
0x98: {  	v0 =	vld [tilespmem:s31+$0xFFFFFF40];
	_ =	sdelay $0x7  }
0x99: {  	v0 =	vld.idx.msk [tilespmem:v0+s5+$0x0], $0xffff;
	_ =	sdelay $0x4  }
0x9a: {  	[tilespmem:s30+$0xFFFFFF40] =	vst v0  }
0x9b: {  	v0 =	vld [tilespmem:s31+$0xFFFFFF50];
	_ =	sdelay $0x7  }
0x9c: {  	v0 =	vld.idx.msk [tilespmem:v0+s5+$0x0], $0xffff;
	_ =	sdelay $0x4  }
0x9d: {  	[tilespmem:s30+$0xFFFFFF50] =	vst v0  }
0x9e: {  	v0 =	vld [tilespmem:s31+$0xFFFFFF60];
	_ =	sdelay $0x7  }
0x9f: {  	v0 =	vld.idx.msk [tilespmem:v0+s5+$0x0], $0xffff;
	_ =	sdelay $0x4  }
0xa0: {  	[tilespmem:s30+$0xFFFFFF60] =	vst v0  }
0xa1: {  	v0 =	vld [tilespmem:s31+$0xFFFFFF70];
	_ =	sdelay $0x7  }
0xa2: {  	v0 =	vld.idx.msk [tilespmem:v0+s5+$0x0], $0xffff;
	_ =	sdelay $0x4  }
0xa3: {  	[tilespmem:s30+$0xFFFFFF70] =	vst v0  }
0xa4: {  	v0 =	vld [tilespmem:s31+$0x0];
	_ =	sdelay $0x7  }
0xa5: {  	v0 =	vld.idx.msk [tilespmem:v0+s5+$0x0], $0xffff;
	_ =	sdelay $0x4  }
0xa6: {  	[tilespmem:s30+$0x0] =	vst v0  }
0xa7: {  	v0 =	vld [tilespmem:s31+$0x10];
	_ =	sdelay $0x7  }
0xa8: {  	v0 =	vld.idx.msk [tilespmem:v0+s5+$0x0], $0xffff;
	_ =	sdelay $0x4  }
0xa9: {  	[tilespmem:s30+$0x10] =	vst v0  }
0xaa: {  	v0 =	vld [tilespmem:s31+$0x20];
	_ =	sdelay $0x7  }
0xab: {  	v0 =	vld.idx.msk [tilespmem:v0+s5+$0x0], $0xffff;
	_ =	sdelay $0x4  }
0xac: {  	[tilespmem:s30+$0x20] =	vst v0  }
0xad: {  	v0 =	vld [tilespmem:s31+$0x30];
	_ =	sdelay $0x7  }
0xae: {  	v0 =	vld.idx.msk [tilespmem:v0+s5+$0x0], $0xffff;
	_ =	sdelay $0x4  }
0xaf: {  	[tilespmem:s30+$0x30] =	vst v0  }
0xb0: {  	v0 =	vld [tilespmem:s31+$0x40];
	_ =	sdelay $0x7  }
0xb1: {  	v0 =	vld.idx.msk [tilespmem:v0+s5+$0x0], $0xffff;
	_ =	sdelay $0x4  }
0xb2: {  	[tilespmem:s30+$0x40] =	vst v0  }
0xb3: {  	v0 =	vld [tilespmem:s31+$0x50];
	_ =	sdelay $0x7  }
0xb4: {  	v0 =	vld.idx.msk [tilespmem:v0+s5+$0x0], $0xffff;
	_ =	sdelay $0x4  }
0xb5: {  	[tilespmem:s30+$0x50] =	vst v0  }
0xb6: {  	v0 =	vld [tilespmem:s31+$0x60];
	_ =	sdelay $0x7  }
0xb7: {  	v0 =	vld.idx.msk [tilespmem:v0+s5+$0x0], $0xffff;
	_ =	sdelay $0x4  }
0xb8: {  	[tilespmem:s30+$0x60] =	vst v0  }
0xb9: {  	v0 =	vld [tilespmem:s31+$0x70];
	_ =	sdelay $0x7  }
0xba: {  	v0 =	vld.idx.msk [tilespmem:v0+s5+$0x0], $0xffff;
	_ =	sdelay $0x4  }
0xbb: {  	[tilespmem:s30+$0x70] =	vst v0  }
0xbc: {  	v0 =	vld [tilespmem:s31+$0x100];
	_ =	sdelay $0x7  }
0xbd: {  	v0 =	vld.idx.msk [tilespmem:v0+s5+$0x0], $0xffff;
	_ =	sdelay $0x4  }
0xbe: {  	[tilespmem:s30+$0x100] =	vst v0  }
0xbf: {  	v0 =	vld [tilespmem:s31+$0x110];
	_ =	sdelay $0x7  }
0xc0: {  	v0 =	vld.idx.msk [tilespmem:v0+s5+$0x0], $0xffff;
	_ =	sdelay $0x4  }
0xc1: {  	[tilespmem:s30+$0x110] =	vst v0  }
0xc2: {  	v0 =	vld [tilespmem:s31+$0x120];
	_ =	sdelay $0x7  }
0xc3: {  	v0 =	vld.idx.msk [tilespmem:v0+s5+$0x0], $0xffff;
	_ =	sdelay $0x4  }
0xc4: {  	[tilespmem:s30+$0x120] =	vst v0  }
0xc5: {  	v0 =	vld [tilespmem:s31+$0x130];
	_ =	sdelay $0x7  }
0xc6: {  	v0 =	vld.idx.msk [tilespmem:v0+s5+$0x0], $0xffff;
	_ =	sdelay $0x4  }
0xc7: {  	[tilespmem:s30+$0x130] =	vst v0  }
0xc8: {  	v0 =	vld [tilespmem:s31+$0x140];
	_ =	sdelay $0x7  }
0xc9: {  	v0 =	vld.idx.msk [tilespmem:v0+s5+$0x0], $0xffff;
	_ =	sdelay $0x4  }
0xca: {  	[tilespmem:s30+$0x140] =	vst v0  }
0xcb: {  	v0 =	vld [tilespmem:s31+$0x150];
	_ =	sdelay $0x7  }
0xcc: {  	v0 =	vld.idx.msk [tilespmem:v0+s5+$0x0], $0xffff;
	_ =	sdelay $0x4  }
0xcd: {  	[tilespmem:s30+$0x150] =	vst v0  }
0xce: {  	v0 =	vld [tilespmem:s31+$0x160];
	_ =	sdelay $0x7  }
0xcf: {  	v0 =	vld.idx.msk [tilespmem:v0+s5+$0x0], $0xffff;
	_ =	sdelay $0x4  }
0xd0: {  	[tilespmem:s30+$0x160] =	vst v0  }
0xd1: {  	v0 =	vld [tilespmem:s31+$0x170];
	_ =	sdelay $0x6  }
0xd2: {  	s1 =	sadd.s32 $0x20, s1  }
0xd3: {  	p1 =	slt.u32 s1, $0x60;
	v0 =	vld.idx.msk [tilespmem:v0+s5+$0x0], $0xffff  }
.Ltmp0:
0xd4: {  	_ = 	snop;
	(pc) =	sbr.rel @p1 .LBB2_4-.Ltmp0, $2  }
0xd5: {  	_ =	sdelay $0x2  }
0xd6: {  	s31 =	sadd.s32 $0x400, s31;
	[tilespmem:s30+$0x170] =	vst v0;
	s30 =	sadd.s32 $0x400, s30  }
0xd7: {  	s1 =	sshll.u32 s10, $0xF  }
0xd8: {  	s1 =	sadd.s32 s8, s1  }
0xd9: {  	s1 =	sshrl.u32 s1, $0x3  }
0xda: {  	s0 =	simm.s32 $0x19700;
	s1 =	sadd.s32 s4, s1  }
0xdb: {  	[hbm4b:s1+s5] =	stream.linear.scatter [tilespmem:s0], [sflag:$0x3], $0x80, $0x38;
	[tilespmem:$0x1A700] =	vst v63  }
0xdc: {  	s2 =	simm.s32 $0x19800;
	s30 =	sadd.s32 $0x80, s1  }
0xdd: {  	[hbm4b:s30+s5] =	stream.linear.scatter [tilespmem:s2], [sflag:$0x3], $0x80, $0x38;
	[tilespmem:$0x1A700] =	vst v63  }
0xde: {  	s30 =	sadd.s32 $0x100, s1;
	s2 =	simm.s32 $0x19900  }
0xdf: {  	[hbm4b:s30+s5] =	stream.linear.scatter [tilespmem:s2], [sflag:$0x3], $0x80, $0x38;
	[tilespmem:$0x1A700] =	vst v63  }
0xe0: {  	s30 =	sadd.s32 $0x180, s1;
	s2 =	simm.s32 $0x19A00  }
0xe1: {  	[hbm4b:s30+s5] =	stream.linear.scatter [tilespmem:s2], [sflag:$0x3], $0x80, $0x38;
	[tilespmem:$0x1A700] =	vst v63  }
0xe2: {  	s30 =	sadd.s32 $0x200, s1;
	s2 =	simm.s32 $0x19B00  }
0xe3: {  	[hbm4b:s30+s5] =	stream.linear.scatter [tilespmem:s2], [sflag:$0x3], $0x80, $0x38;
	[tilespmem:$0x1A700] =	vst v63  }
0xe4: {  	s30 =	sadd.s32 $0x280, s1;
	s2 =	simm.s32 $0x19C00  }
0xe5: {  	[hbm4b:s30+s5] =	stream.linear.scatter [tilespmem:s2], [sflag:$0x3], $0x80, $0x38;
	[tilespmem:$0x1A700] =	vst v63  }
0xe6: {  	s30 =	sadd.s32 $0x300, s1;
	s2 =	simm.s32 $0x19D00  }
0xe7: {  	[hbm4b:s30+s5] =	stream.linear.scatter [tilespmem:s2], [sflag:$0x3], $0x80, $0x38;
	[tilespmem:$0x1A700] =	vst v63  }
0xe8: {  	s30 =	sadd.s32 $0x380, s1;
	s2 =	simm.s32 $0x19E00  }
0xe9: {  	[hbm4b:s30+s5] =	stream.linear.scatter [tilespmem:s2], [sflag:$0x3], $0x80, $0x38;
	[tilespmem:$0x1A700] =	vst v63  }
0xea: {  	s30 =	sadd.s32 $0x400, s1;
	s2 =	simm.s32 $0x19F00  }
0xeb: {  	[hbm4b:s30+s5] =	stream.linear.scatter [tilespmem:s2], [sflag:$0x3], $0x80, $0x38;
	[tilespmem:$0x1A700] =	vst v63  }
0xec: {  	s30 =	sadd.s32 $0x480, s1;
	s2 =	simm.s32 $0x1A000  }
0xed: {  	[hbm4b:s30+s5] =	stream.linear.scatter [tilespmem:s2], [sflag:$0x3], $0x80, $0x38;
	[tilespmem:$0x1A700] =	vst v63  }
0xee: {  	s30 =	sadd.s32 $0x500, s1;
	s2 =	simm.s32 $0x1A100  }
0xef: {  	[hbm4b:s30+s5] =	stream.linear.scatter [tilespmem:s2], [sflag:$0x3], $0x80, $0x38;
	[tilespmem:$0x1A700] =	vst v63  }
0xf0: {  	s30 =	sadd.s32 $0x580, s1;
	s2 =	simm.s32 $0x1A200  }
0xf1: {  	[hbm4b:s30+s5] =	stream.linear.scatter [tilespmem:s2], [sflag:$0x3], $0x80, $0x38;
	[tilespmem:$0x1A700] =	vst v63  }
0xf2: {  	s30 =	sadd.s32 $0x600, s1;
	s2 =	simm.s32 $0x1A300  }
0xf3: {  	[hbm4b:s30+s5] =	stream.linear.scatter [tilespmem:s2], [sflag:$0x3], $0x80, $0x38;
	[tilespmem:$0x1A700] =	vst v63  }
0xf4: {  	s30 =	sadd.s32 $0x680, s1;
	s2 =	simm.s32 $0x1A400  }
0xf5: {  	[hbm4b:s30+s5] =	stream.linear.scatter [tilespmem:s2], [sflag:$0x3], $0x80, $0x38;
	[tilespmem:$0x1A700] =	vst v63  }
0xf6: {  	s30 =	sadd.s32 $0x700, s1;
	s2 =	simm.s32 $0x1A500  }
0xf7: {  	[hbm4b:s30+s5] =	stream.linear.scatter [tilespmem:s2], [sflag:$0x3], $0x80, $0x38;
	[tilespmem:$0x1A700] =	vst v63  }
0xf8: {  	s28 =	sor.u32 $0x1, s28;
	s1 =	sadd.s32 $0x780, s1;
	s2 =	simm.s32 $0x1A600  }
0xf9: {  	[hbm4b:s1+s5] =	stream.linear.scatter [tilespmem:s2], [sflag:$0x3], $0x80, $0x38;
	[tilespmem:$0x1A700] =	vst v63  }
0xfa: {  	s1 =	sor.u32 s3, s28  }
0xfb: {  	p1 =	sgt.u32 s1, $0xCE  }
0xfc: {  	_ =	swait.ge [sflag:s29], $0x800;
	s30 =	sadd.s32 @!p1 $0x1, s1  }
0xfd: {  	[sflag:s29] =	ssyncset.done $0x0;
	s31 =	sshll.u32 @!p1 s30, $0x8;
	s0 =	sshll.u32 @!p1 s30, $0xB  }
0xfe: {  	s30 =	sshll.u32 @!p1 s30, $0x1;
	[sflag:s29] =	ssyncadd.s32 $0xFFFFF800;
	s31 =	sand.u32 @!p1 $0x1C000, s31  }
0xff: {  	s0 =	sand.u32 @!p1 $0x3000, s0;
	s30 =	sand.u32 @!p1 $0x70, s30;
	s2 =	rddreg [dreg:$0x0]  }
0x100: {  	s0 =	sor.u32 @!p1 s31, s0;
	s30 =	sadd.s32 @!p1 s2, s30  }
0x101: {  	s31 =	simm.s32 @!p1 $0x18700;
	s0 =	sadd.s32 @!p1 s0, s30;
	s30 =	simm.s32 @!p1 $0x0  }
0x102: {  	[tilespmem:s31], [sflag:$0x2] =	stream.linear.gather @!p1 [hbm4b:s0+s30], $0x80, $0x38;
	[tilespmem:$0x1A700] =	vst v63  }
0x103: {  	s2 =	simm.s32 @!p1 $0x18800;
	s31 =	sadd.s32 @!p1 $0x80, s0  }
0x104: {  	[tilespmem:s2], [sflag:$0x2] =	stream.linear.gather @!p1 [hbm4b:s31+s30], $0x80, $0x38;
	[tilespmem:$0x1A700] =	vst v63  }
0x105: {  	s2 =	sadd.s32 @!p1 $0x100, s0;
	s31 =	simm.s32 @!p1 $0x18900  }
0x106: {  	[tilespmem:s31], [sflag:$0x2] =	stream.linear.gather @!p1 [hbm4b:s2+s30], $0x80, $0x38;
	[tilespmem:$0x1A700] =	vst v63  }
0x107: {  	s2 =	sadd.s32 @!p1 $0x180, s0;
	s31 =	simm.s32 @!p1 $0x18A00  }
0x108: {  	[tilespmem:s31], [sflag:$0x2] =	stream.linear.gather @!p1 [hbm4b:s2+s30], $0x80, $0x38;
	[tilespmem:$0x1A700] =	vst v63  }
0x109: {  	s2 =	sadd.s32 @!p1 $0x200, s0;
	s31 =	simm.s32 @!p1 $0x18B00  }
0x10a: {  	[tilespmem:s31], [sflag:$0x2] =	stream.linear.gather @!p1 [hbm4b:s2+s30], $0x80, $0x38;
	[tilespmem:$0x1A700] =	vst v63  }
0x10b: {  	s2 =	sadd.s32 @!p1 $0x280, s0;
	s31 =	simm.s32 @!p1 $0x18C00  }
0x10c: {  	[tilespmem:s31], [sflag:$0x2] =	stream.linear.gather @!p1 [hbm4b:s2+s30], $0x80, $0x38;
	[tilespmem:$0x1A700] =	vst v63  }
0x10d: {  	s2 =	sadd.s32 @!p1 $0x300, s0;
	s31 =	simm.s32 @!p1 $0x18D00  }
0x10e: {  	[tilespmem:s31], [sflag:$0x2] =	stream.linear.gather @!p1 [hbm4b:s2+s30], $0x80, $0x38;
	[tilespmem:$0x1A700] =	vst v63  }
0x10f: {  	s2 =	sadd.s32 @!p1 $0x380, s0;
	s31 =	simm.s32 @!p1 $0x18E00  }
0x110: {  	[tilespmem:s31], [sflag:$0x2] =	stream.linear.gather @!p1 [hbm4b:s2+s30], $0x80, $0x38;
	[tilespmem:$0x1A700] =	vst v63  }
0x111: {  	s2 =	sadd.s32 @!p1 $0x400, s0;
	s31 =	simm.s32 @!p1 $0x18F00  }
0x112: {  	[tilespmem:s31], [sflag:$0x2] =	stream.linear.gather @!p1 [hbm4b:s2+s30], $0x80, $0x38;
	[tilespmem:$0x1A700] =	vst v63  }
0x113: {  	s2 =	sadd.s32 @!p1 $0x480, s0;
	s31 =	simm.s32 @!p1 $0x19000  }
0x114: {  	[tilespmem:s31], [sflag:$0x2] =	stream.linear.gather @!p1 [hbm4b:s2+s30], $0x80, $0x38;
	[tilespmem:$0x1A700] =	vst v63  }
0x115: {  	s2 =	sadd.s32 @!p1 $0x500, s0;
	s31 =	simm.s32 @!p1 $0x19100  }
0x116: {  	[tilespmem:s31], [sflag:$0x2] =	stream.linear.gather @!p1 [hbm4b:s2+s30], $0x80, $0x38;
	[tilespmem:$0x1A700] =	vst v63  }
0x117: {  	s2 =	sadd.s32 @!p1 $0x580, s0;
	s31 =	simm.s32 @!p1 $0x19200  }
0x118: {  	[tilespmem:s31], [sflag:$0x2] =	stream.linear.gather @!p1 [hbm4b:s2+s30], $0x80, $0x38;
	[tilespmem:$0x1A700] =	vst v63  }
0x119: {  	s2 =	sadd.s32 @!p1 $0x600, s0;
	s31 =	simm.s32 @!p1 $0x19300  }
0x11a: {  	[tilespmem:s31], [sflag:$0x2] =	stream.linear.gather @!p1 [hbm4b:s2+s30], $0x80, $0x38;
	[tilespmem:$0x1A700] =	vst v63  }
0x11b: {  	s2 =	sadd.s32 @!p1 $0x680, s0;
	s31 =	simm.s32 @!p1 $0x19400  }
0x11c: {  	[tilespmem:s31], [sflag:$0x2] =	stream.linear.gather @!p1 [hbm4b:s2+s30], $0x80, $0x38;
	[tilespmem:$0x1A700] =	vst v63  }
0x11d: {  	s2 =	sadd.s32 @!p1 $0x700, s0;
	s31 =	simm.s32 @!p1 $0x19500  }
0x11e: {  	[tilespmem:s31], [sflag:$0x2] =	stream.linear.gather @!p1 [hbm4b:s2+s30], $0x80, $0x38;
	[tilespmem:$0x1A700] =	vst v63  }
0x11f: {  	p2 =	seq.s32 @!p1 s1, $0x1;
	s0 =	sadd.s32 @!p1 $0x780, s0;
	s2 =	simm.s32 @!p1 $0x19600  }
0x120: {  	[tilespmem:s2], [sflag:$0x2] =	stream.linear.gather @!p1 [hbm4b:s0+s30], $0x80, $0x38;
	[tilespmem:$0x1A700] =	vst v63  }
0x121: {  	p1 =	por p1, !p2  }
0x122: {  	_ =	swait.ge @p1 [sflag:s26], $0x800  }
0x123: {  	s1 =	simm.s32 $0xFFFFFFE0;
	[sflag:s26] =	ssyncset.done @p1 $0x0  }
0x124: {  	s31 =	simm.s32 $0x18980;
	s30 =	simm.s32 $0x19980;
	[sflag:s26] =	ssyncadd.s32 @p1 $0xFFFFF800  }
.LBB2_6:
0x125: {  	v0 =	vld [tilespmem:s31+$0xFFFFFE00];
	_ =	sdelay $0x7  }
0x126: {  	v0 =	vld.idx.msk [tilespmem:v0+s5+$0x0], $0xffff;
	_ =	sdelay $0x4  }
0x127: {  	[tilespmem:s30+$0xFFFFFE00] =	vst v0  }
0x128: {  	v0 =	vld [tilespmem:s31+$0xFFFFFE10];
	_ =	sdelay $0x7  }
0x129: {  	v0 =	vld.idx.msk [tilespmem:v0+s5+$0x0], $0xffff;
	_ =	sdelay $0x4  }
0x12a: {  	[tilespmem:s30+$0xFFFFFE10] =	vst v0  }
0x12b: {  	v0 =	vld [tilespmem:s31+$0xFFFFFE20];
	_ =	sdelay $0x7  }
0x12c: {  	v0 =	vld.idx.msk [tilespmem:v0+s5+$0x0], $0xffff;
	_ =	sdelay $0x4  }
0x12d: {  	[tilespmem:s30+$0xFFFFFE20] =	vst v0  }
0x12e: {  	v0 =	vld [tilespmem:s31+$0xFFFFFE30];
	_ =	sdelay $0x7  }
0x12f: {  	v0 =	vld.idx.msk [tilespmem:v0+s5+$0x0], $0xffff;
	_ =	sdelay $0x4  }
0x130: {  	[tilespmem:s30+$0xFFFFFE30] =	vst v0  }
0x131: {  	v0 =	vld [tilespmem:s31+$0xFFFFFE40];
	_ =	sdelay $0x7  }
0x132: {  	v0 =	vld.idx.msk [tilespmem:v0+s5+$0x0], $0xffff;
	_ =	sdelay $0x4  }
0x133: {  	[tilespmem:s30+$0xFFFFFE40] =	vst v0  }
0x134: {  	v0 =	vld [tilespmem:s31+$0xFFFFFE50];
	_ =	sdelay $0x7  }
0x135: {  	v0 =	vld.idx.msk [tilespmem:v0+s5+$0x0], $0xffff;
	_ =	sdelay $0x4  }
0x136: {  	[tilespmem:s30+$0xFFFFFE50] =	vst v0  }
0x137: {  	v0 =	vld [tilespmem:s31+$0xFFFFFE60];
	_ =	sdelay $0x7  }
0x138: {  	v0 =	vld.idx.msk [tilespmem:v0+s5+$0x0], $0xffff;
	_ =	sdelay $0x4  }
0x139: {  	[tilespmem:s30+$0xFFFFFE60] =	vst v0  }
0x13a: {  	v0 =	vld [tilespmem:s31+$0xFFFFFE70];
	_ =	sdelay $0x7  }
0x13b: {  	v0 =	vld.idx.msk [tilespmem:v0+s5+$0x0], $0xffff;
	_ =	sdelay $0x4  }
0x13c: {  	[tilespmem:s30+$0xFFFFFE70] =	vst v0  }
0x13d: {  	v0 =	vld [tilespmem:s31+$0xFFFFFF00];
	_ =	sdelay $0x7  }
0x13e: {  	v0 =	vld.idx.msk [tilespmem:v0+s5+$0x0], $0xffff;
	_ =	sdelay $0x4  }
0x13f: {  	[tilespmem:s30+$0xFFFFFF00] =	vst v0  }
0x140: {  	v0 =	vld [tilespmem:s31+$0xFFFFFF10];
	_ =	sdelay $0x7  }
0x141: {  	v0 =	vld.idx.msk [tilespmem:v0+s5+$0x0], $0xffff;
	_ =	sdelay $0x4  }
0x142: {  	[tilespmem:s30+$0xFFFFFF10] =	vst v0  }
0x143: {  	v0 =	vld [tilespmem:s31+$0xFFFFFF20];
	_ =	sdelay $0x7  }
0x144: {  	v0 =	vld.idx.msk [tilespmem:v0+s5+$0x0], $0xffff;
	_ =	sdelay $0x4  }
0x145: {  	[tilespmem:s30+$0xFFFFFF20] =	vst v0  }
0x146: {  	v0 =	vld [tilespmem:s31+$0xFFFFFF30];
	_ =	sdelay $0x7  }
0x147: {  	v0 =	vld.idx.msk [tilespmem:v0+s5+$0x0], $0xffff;
	_ =	sdelay $0x4  }
0x148: {  	[tilespmem:s30+$0xFFFFFF30] =	vst v0  }
0x149: {  	v0 =	vld [tilespmem:s31+$0xFFFFFF40];
	_ =	sdelay $0x7  }
0x14a: {  	v0 =	vld.idx.msk [tilespmem:v0+s5+$0x0], $0xffff;
	_ =	sdelay $0x4  }
0x14b: {  	[tilespmem:s30+$0xFFFFFF40] =	vst v0  }
0x14c: {  	v0 =	vld [tilespmem:s31+$0xFFFFFF50];
	_ =	sdelay $0x7  }
0x14d: {  	v0 =	vld.idx.msk [tilespmem:v0+s5+$0x0], $0xffff;
	_ =	sdelay $0x4  }
0x14e: {  	[tilespmem:s30+$0xFFFFFF50] =	vst v0  }
0x14f: {  	v0 =	vld [tilespmem:s31+$0xFFFFFF60];
	_ =	sdelay $0x7  }
0x150: {  	v0 =	vld.idx.msk [tilespmem:v0+s5+$0x0], $0xffff;
	_ =	sdelay $0x4  }
0x151: {  	[tilespmem:s30+$0xFFFFFF60] =	vst v0  }
0x152: {  	v0 =	vld [tilespmem:s31+$0xFFFFFF70];
	_ =	sdelay $0x7  }
0x153: {  	v0 =	vld.idx.msk [tilespmem:v0+s5+$0x0], $0xffff;
	_ =	sdelay $0x4  }
0x154: {  	[tilespmem:s30+$0xFFFFFF70] =	vst v0  }
0x155: {  	v0 =	vld [tilespmem:s31+$0x0];
	_ =	sdelay $0x7  }
0x156: {  	v0 =	vld.idx.msk [tilespmem:v0+s5+$0x0], $0xffff;
	_ =	sdelay $0x4  }
0x157: {  	[tilespmem:s30+$0x0] =	vst v0  }
0x158: {  	v0 =	vld [tilespmem:s31+$0x10];
	_ =	sdelay $0x7  }
0x159: {  	v0 =	vld.idx.msk [tilespmem:v0+s5+$0x0], $0xffff;
	_ =	sdelay $0x4  }
0x15a: {  	[tilespmem:s30+$0x10] =	vst v0  }
0x15b: {  	v0 =	vld [tilespmem:s31+$0x20];
	_ =	sdelay $0x7  }
0x15c: {  	v0 =	vld.idx.msk [tilespmem:v0+s5+$0x0], $0xffff;
	_ =	sdelay $0x4  }
0x15d: {  	[tilespmem:s30+$0x20] =	vst v0  }
0x15e: {  	v0 =	vld [tilespmem:s31+$0x30];
	_ =	sdelay $0x7  }
0x15f: {  	v0 =	vld.idx.msk [tilespmem:v0+s5+$0x0], $0xffff;
	_ =	sdelay $0x4  }
0x160: {  	[tilespmem:s30+$0x30] =	vst v0  }
0x161: {  	v0 =	vld [tilespmem:s31+$0x40];
	_ =	sdelay $0x7  }
0x162: {  	v0 =	vld.idx.msk [tilespmem:v0+s5+$0x0], $0xffff;
	_ =	sdelay $0x4  }
0x163: {  	[tilespmem:s30+$0x40] =	vst v0  }
0x164: {  	v0 =	vld [tilespmem:s31+$0x50];
	_ =	sdelay $0x7  }
0x165: {  	v0 =	vld.idx.msk [tilespmem:v0+s5+$0x0], $0xffff;
	_ =	sdelay $0x4  }
0x166: {  	[tilespmem:s30+$0x50] =	vst v0  }
0x167: {  	v0 =	vld [tilespmem:s31+$0x60];
	_ =	sdelay $0x7  }
0x168: {  	v0 =	vld.idx.msk [tilespmem:v0+s5+$0x0], $0xffff;
	_ =	sdelay $0x4  }
0x169: {  	[tilespmem:s30+$0x60] =	vst v0  }
0x16a: {  	v0 =	vld [tilespmem:s31+$0x70];
	_ =	sdelay $0x7  }
0x16b: {  	v0 =	vld.idx.msk [tilespmem:v0+s5+$0x0], $0xffff;
	_ =	sdelay $0x4  }
0x16c: {  	[tilespmem:s30+$0x70] =	vst v0  }
0x16d: {  	v0 =	vld [tilespmem:s31+$0x100];
	_ =	sdelay $0x7  }
0x16e: {  	v0 =	vld.idx.msk [tilespmem:v0+s5+$0x0], $0xffff;
	_ =	sdelay $0x4  }
0x16f: {  	[tilespmem:s30+$0x100] =	vst v0  }
0x170: {  	v0 =	vld [tilespmem:s31+$0x110];
	_ =	sdelay $0x7  }
0x171: {  	v0 =	vld.idx.msk [tilespmem:v0+s5+$0x0], $0xffff;
	_ =	sdelay $0x4  }
0x172: {  	[tilespmem:s30+$0x110] =	vst v0  }
0x173: {  	v0 =	vld [tilespmem:s31+$0x120];
	_ =	sdelay $0x7  }
0x174: {  	v0 =	vld.idx.msk [tilespmem:v0+s5+$0x0], $0xffff;
	_ =	sdelay $0x4  }
0x175: {  	[tilespmem:s30+$0x120] =	vst v0  }
0x176: {  	v0 =	vld [tilespmem:s31+$0x130];
	_ =	sdelay $0x7  }
0x177: {  	v0 =	vld.idx.msk [tilespmem:v0+s5+$0x0], $0xffff;
	_ =	sdelay $0x4  }
0x178: {  	[tilespmem:s30+$0x130] =	vst v0  }
0x179: {  	v0 =	vld [tilespmem:s31+$0x140];
	_ =	sdelay $0x7  }
0x17a: {  	v0 =	vld.idx.msk [tilespmem:v0+s5+$0x0], $0xffff;
	_ =	sdelay $0x4  }
0x17b: {  	[tilespmem:s30+$0x140] =	vst v0  }
0x17c: {  	v0 =	vld [tilespmem:s31+$0x150];
	_ =	sdelay $0x7  }
0x17d: {  	v0 =	vld.idx.msk [tilespmem:v0+s5+$0x0], $0xffff;
	_ =	sdelay $0x4  }
0x17e: {  	[tilespmem:s30+$0x150] =	vst v0  }
0x17f: {  	v0 =	vld [tilespmem:s31+$0x160];
	_ =	sdelay $0x7  }
0x180: {  	v0 =	vld.idx.msk [tilespmem:v0+s5+$0x0], $0xffff;
	_ =	sdelay $0x4  }
0x181: {  	[tilespmem:s30+$0x160] =	vst v0  }
0x182: {  	v0 =	vld [tilespmem:s31+$0x170];
	_ =	sdelay $0x6  }
0x183: {  	s1 =	sadd.s32 $0x20, s1  }
0x184: {  	p1 =	slt.u32 s1, $0x60;
	v0 =	vld.idx.msk [tilespmem:v0+s5+$0x0], $0xffff  }
.Ltmp1:
0x185: {  	_ = 	snop;
	(pc) =	sbr.rel @p1 .LBB2_6-.Ltmp1, $2  }
0x186: {  	_ =	sdelay $0x2  }
0x187: {  	s31 =	sadd.s32 $0x400, s31;
	[tilespmem:s30+$0x170] =	vst v0;
	s30 =	sadd.s32 $0x400, s30  }
0x188: {  	p1 =	sne.s32 @!p0 s10, $0x3  }
0x189: {  	s28 =	sshll.u32 s28, $0xE;
	p1 =	por p1, p0  }
0x18a: {  	s0 =	simm.s32 @!p1 $0x80;
	s1 =	simm.s32 @!p1 $0x400;
	s2 =	simm.s32 @!p1 $0x0  }
0x18b: {  	[tilespmem:s2], [sflag:$0x1] =	stream.strided.gather @!p1 [hbm4b:s9+s0], $0x18700, s1, s0, $0x38;
	[tilespmem:$0x1A700] =	vst v63  }
0x18c: {  	s0 =	sadd.s32 s8, s28  }
0x18d: {  	s0 =	sshrl.u32 s0, $0x3  }
0x18e: {  	s0 =	sadd.s32 s4, s0  }
0x18f: {  	[hbm4b:s0+s5] =	stream.linear.scatter [tilespmem:s7], [sflag:$0x3], $0x80, $0x38;
	[tilespmem:$0x1A700] =	vst v63  }
0x190: {  	s30 =	sadd.s32 $0x80, s0  }
0x191: {  	[hbm4b:s30+s5] =	stream.linear.scatter [tilespmem:s11], [sflag:$0x3], $0x80, $0x38;
	[tilespmem:$0x1A700] =	vst v63  }
0x192: {  	s31 =	sadd.s32 $0x100, s0  }
0x193: {  	[hbm4b:s31+s5] =	stream.linear.scatter [tilespmem:s12], [sflag:$0x3], $0x80, $0x38;
	[tilespmem:$0x1A700] =	vst v63  }
0x194: {  	s2 =	sadd.s32 $0x180, s0  }
0x195: {  	[hbm4b:s2+s5] =	stream.linear.scatter [tilespmem:s13], [sflag:$0x3], $0x80, $0x38;
	[tilespmem:$0x1A700] =	vst v63  }
0x196: {  	s28 =	sadd.s32 $0x200, s0  }
0x197: {  	[hbm4b:s28+s5] =	stream.linear.scatter [tilespmem:s14], [sflag:$0x3], $0x80, $0x38;
	[tilespmem:$0x1A700] =	vst v63  }
0x198: {  	s30 =	sadd.s32 $0x280, s0  }
0x199: {  	[hbm4b:s30+s5] =	stream.linear.scatter [tilespmem:s15], [sflag:$0x3], $0x80, $0x38;
	[tilespmem:$0x1A700] =	vst v63  }
0x19a: {  	s31 =	sadd.s32 $0x300, s0  }
0x19b: {  	[hbm4b:s31+s5] =	stream.linear.scatter [tilespmem:s16], [sflag:$0x3], $0x80, $0x38;
	[tilespmem:$0x1A700] =	vst v63  }
0x19c: {  	s2 =	sadd.s32 $0x380, s0  }
0x19d: {  	[hbm4b:s2+s5] =	stream.linear.scatter [tilespmem:s17], [sflag:$0x3], $0x80, $0x38;
	[tilespmem:$0x1A700] =	vst v63  }
0x19e: {  	s28 =	sadd.s32 $0x400, s0  }
0x19f: {  	[hbm4b:s28+s5] =	stream.linear.scatter [tilespmem:s18], [sflag:$0x3], $0x80, $0x38;
	[tilespmem:$0x1A700] =	vst v63  }
0x1a0: {  	s30 =	sadd.s32 $0x480, s0  }
0x1a1: {  	[hbm4b:s30+s5] =	stream.linear.scatter [tilespmem:s19], [sflag:$0x3], $0x80, $0x38;
	[tilespmem:$0x1A700] =	vst v63  }
0x1a2: {  	s31 =	sadd.s32 $0x500, s0  }
0x1a3: {  	[hbm4b:s31+s5] =	stream.linear.scatter [tilespmem:s20], [sflag:$0x3], $0x80, $0x38;
	[tilespmem:$0x1A700] =	vst v63  }
0x1a4: {  	s2 =	sadd.s32 $0x580, s0  }
0x1a5: {  	[hbm4b:s2+s5] =	stream.linear.scatter [tilespmem:s21], [sflag:$0x3], $0x80, $0x38;
	[tilespmem:$0x1A700] =	vst v63  }
0x1a6: {  	s10 =	sadd.s32 $0x1, s10;
	s28 =	sadd.s32 $0x600, s0  }
0x1a7: {  	[hbm4b:s28+s5] =	stream.linear.scatter [tilespmem:s22], [sflag:$0x3], $0x80, $0x38;
	[tilespmem:$0x1A700] =	vst v63  }
0x1a8: {  	p1 =	sne.s32 s10, $0x4;
	s30 =	sadd.s32 $0x680, s0  }
0x1a9: {  	[hbm4b:s30+s5] =	stream.linear.scatter [tilespmem:s23], [sflag:$0x3], $0x80, $0x38;
	[tilespmem:$0x1A700] =	vst v63  }
.Ltmp2:
0x1aa: {  	_ = 	snop;
	(pc) =	sbr.rel @p1 .LBB2_3-.Ltmp2, $4  }
0x1ab: {  	s31 =	sadd.s32 $0x700, s0  }
0x1ac: {  	[hbm4b:s31+s5] =	stream.linear.scatter [tilespmem:s24], [sflag:$0x3], $0x80, $0x38;
	[tilespmem:$0x1A700] =	vst v63  }
0x1ad: {  	s0 =	sadd.s32 $0x780, s0  }
0x1ae: {  	[hbm4b:s0+s5] =	stream.linear.scatter [tilespmem:s25], [sflag:$0x3], $0x80, $0x38;
	[tilespmem:$0x1A700] =	vst v63  }
0x1af: {  	s2 =	rddreg [dreg:$0x1a]  }
0x1b0: {  	s2 =	sadd.s32 $0x1, s2  }
0x1b1: {  	p0 =	sne.s32 s2, $0x1A  }
.Ltmp3:
0x1b2: {  	_ = 	snop;
	(pc) =	sbr.rel @p0 .LBB2_2-.Ltmp3, $1  }
0x1b3: {  	_ =	sdelay $0x3  }
0x1b4: {  	_ =	swait.ge [sflag:s26], $0x800  }
0x1b5: {  	[sflag:s26] =	ssyncset.done $0x0  }
0x1b6: {  	[sflag:s26] =	ssyncadd.s32 $0xFFFFF800  }
0x1b7: {  	_ =	swait.ge [sflag:s26], $0x800  }
0x1b8: {  	s1 =	rddreg [dreg:$0x19]  }
0x1b9: {  	s0 =	rddreg [dreg:$0x9];
	s1 =	sadd.s32 $0x1, s1  }
0x1ba: {  	p0 =	sne.s32 s1, s0  }
.Ltmp4:
0x1bb: {  	_ = 	snop;
	(pc) =	sbr.rel @p0 .LBB2_1-.Ltmp4, $3  }
0x1bc: {  	_ =	sdelay $0x1  }
0x1bd: {  	[sflag:s26] =	ssyncset.done $0x0  }
0x1be: {  	[sflag:s26] =	ssyncadd.s32 $0xFFFFF800  }
0x1bf: {  	_ =	sfence.sel $0x180000  }
0x1c0: {  	[bflag:$0x0] =	sbarrier.arrive $0xFFFF  }
0x1c1: {  	_ =	strace $0x90000047  }
0x1c2: {  	s0 =	stileid.u32;
	[bflag:$0x2] =	sbarrier.arrive $0xFFFF  }
0x1c3: {  	p0 =	sne.s32 s0, $0x0;
	s0 =	rddreg [dreg:$0x3]  }
0x1c4: {  	s0 =	sadd.s32 @!p0 $0x100000, s0  }
0x1c5: {  	[sflag:s0] =	ssyncadd.tile.s32 @!p0 $0x1;
	_ =	shalt  }
.Lfunc_end2:
_tile_overlayer_lowered:
.L_overlay_start_2:
0x1c6: {  	(tag) =	ssettag $0x2  }
0x1c7: {  	s0 =	rddreg [dreg:$0x0];
	s2 =	stileid.u32  }
0x1c8: {  	s1 =	rddreg [dreg:$0x1];
	p0 =	sne.s32 s2, $0x0  }
0x1c9: {  	s3 =	rddreg [dreg:$0x2];
	[bflag:$0x3] =	sbarrier.arrive $0xFFFF;
	s2 =	simm.s32 @!p0 $0x1C04  }
0x1ca: {  	[timem:s3], [sflag:s2] =	dma.local @!p0 [hbm:s0], s1  }
0x1cb: {  	s0 =	simm.s32 @!p0 $0x4  }
0x1cc: {  	_ =	swait.ge @!p0 [sflag:s0], s1  }
0x1cd: {  	s1 =	ssub.s32 @!p0 $0x0, s1;
	[sflag:s0] =	ssyncset.done @!p0 $0x0  }
0x1ce: {  	[sflag:s0] =	ssyncadd.s32 @!p0 s1  }
0x1cf: {  	[bflag:$0x3] =	sbarrier.arrive $0xFFFF  }
0x1d0: {  	_ =	shalt  }

</sc_bundles>
